<compile_context>
chip_gen: v7x
topology: tpu7x:2x2x1
jax: 0.10.2.dev20260603
libtpu: 0.0.44.dev20260713+nightly
codegen_flags: <defaults>
</compile_context>

<pallas_src>
import functools

import jax
import jax.numpy as jnp
from jax import lax
from jax.experimental import pallas as pl
from jax.experimental.pallas import tpu as pltpu
from jax.experimental.pallas import tpu_sc as plsc

_NUM_EMB = 1000000
_EMB_DIM = 64
_GROUP_SIZE = 32

_NW = 32
_CHUNK = 128
_LANES = 16


def _sc_gather(weight, szp8, idx1d, n_chunks_per_worker):
    ncw = n_chunks_per_worker
    per_w = ncw * _CHUNK
    b_total = _NW * per_w
    mesh = plsc.VectorSubcoreMesh(core_axis_name="c", subcore_axis_name="s")

    @functools.partial(
        pl.kernel,
        out_type=[
            jax.ShapeDtypeStruct((b_total, _EMB_DIM), jnp.int8),
            jax.ShapeDtypeStruct((b_total, 8), jnp.float32),
        ],
        mesh=mesh,
        compiler_params=pltpu.CompilerParams(use_tc_tiling_on_sc=False,
                                             needs_layout_passes=False),
        scratch_types=[
            pltpu.VMEM((per_w,), jnp.int32),
            pltpu.VMEM((_CHUNK,), jnp.int32),
            pltpu.VMEM((_CHUNK, _EMB_DIM), jnp.int8),
            pltpu.VMEM((_CHUNK, 8), jnp.float32),
            pltpu.VMEM((_CHUNK, 8), jnp.float32),
            pltpu.SemaphoreType.DMA,
            pltpu.SemaphoreType.DMA,
        ],
    )
    def gather_kernel(w_hbm, szp_hbm, idx_hbm, wg_hbm, szpg_hbm,
                      idx_v, hidx_v, w_v, t_v, c_v, sem_w, sem_s):
        wid = lax.axis_index("s") * 2 + lax.axis_index("c")
        base = wid * per_w
        pltpu.sync_copy(idx_hbm.at[pl.ds(base, per_w)], idx_v)

        def body(g, carry):
            idx_c = idx_v.at[pl.ds(g * _CHUNK, _CHUNK)]
            cw = pltpu.async_copy(w_hbm.at[idx_c], w_v, sem_w)
            for k in range(_CHUNK // _LANES):
                iv = idx_v[pl.ds(g * _CHUNK + k * _LANES, _LANES)]
                hidx_v[pl.ds(k * _LANES, _LANES)] = iv >> 1
            cs = pltpu.async_copy(szp_hbm.at[hidx_v], t_v, sem_s)
            cs.wait()
            for k in range(_CHUNK // _LANES):
                iv = idx_v[pl.ds(g * _CHUNK + k * _LANES, _LANES)]
                o = (iv & 1) * 4
                r = lax.iota(jnp.int32, _LANES) + k * _LANES
                zero = jnp.zeros((_LANES,), jnp.int32)
                for c in range(4):
                    v = plsc.load_gather(t_v, [r, o + c])
                    plsc.store_scatter(c_v, [r, zero + c], v)
            cw.wait()
            row0 = base + g * _CHUNK
            pltpu.sync_copy(w_v, wg_hbm.at[pl.ds(row0, _CHUNK)])
            pltpu.sync_copy(c_v, szpg_hbm.at[pl.ds(row0, _CHUNK)])
            return carry

        lax.fori_loop(0, ncw, body, 0)

    return gather_kernel(weight, szp8, idx1d)


def _tc_row_major(weight):
    blk = 8192
    wT = weight.T

    def body(wt_ref, o_ref):
        t = wt_ref[...].astype(jnp.int32)
        o_ref[...] = t.T.astype(jnp.int8)

    return pl.pallas_call(
        body,
        grid=(pl.cdiv(_NUM_EMB, blk),),
        in_specs=[pl.BlockSpec((_EMB_DIM, blk), lambda i: (0, i))],
        out_specs=pl.BlockSpec((blk, _EMB_DIM), lambda i: (i, 0)),
        out_shape=jax.ShapeDtypeStruct((_NUM_EMB, _EMB_DIM), jnp.int8),
    )(wT)


def _tc_dequant_t(w8, szp_g, n_s, n_b):

    def body(w_ref, szp_ref, o_ref):
        w = w_ref[...].astype(jnp.float32)
        szp = szp_ref[...]
        s_full = jnp.concatenate(
            [jnp.broadcast_to(szp[:, 0:1], (n_b, _GROUP_SIZE)),
             jnp.broadcast_to(szp[:, 1:2], (n_b, _GROUP_SIZE))], axis=1)
        z_full = jnp.concatenate(
            [jnp.broadcast_to(szp[:, 2:3], (n_b, _GROUP_SIZE)),
             jnp.broadcast_to(szp[:, 3:4], (n_b, _GROUP_SIZE))], axis=1)
        o_ref[0] = ((w - z_full) * s_full).T

    return pl.pallas_call(
        body,
        grid=(n_s,),
        in_specs=[
            pl.BlockSpec((n_b, _EMB_DIM), lambda i: (i, 0)),
            pl.BlockSpec((n_b, 8), lambda i: (i, 0)),
        ],
        out_specs=pl.BlockSpec((1, _EMB_DIM, n_b), lambda i: (i, 0, 0)),
        out_shape=jax.ShapeDtypeStruct((n_s, _EMB_DIM, n_b), jnp.float32),
    )(w8, szp_g)


def kernel(x, weight, scale, zero_point):
    b, s = x.shape
    n_idx = b * s
    ncw = n_idx // (_NW * _CHUNK)
    idx1d = x.T.reshape(n_idx)

    szp8 = jnp.concatenate([scale, zero_point], axis=1).reshape(_NUM_EMB // 2, 8)

    w_rm = _tc_row_major(weight)
    w_g, szp_g = _sc_gather(w_rm, szp8, idx1d, ncw)
    out3 = _tc_dequant_t(w_g, szp_g, s, b)
    return jnp.transpose(out3, (2, 0, 1))

# --- scband reference (transcript-rebuilt; emitter-appended) ---
"""Pipeline reference for scband-int4-weight-only-embedding-41523743817966 (READ-ONLY COPY).

The authoritative reference and input builder live on the scoring server;
editing this copy changes nothing except your own understanding.
"""

import jax, jax.numpy as jnp
import numpy as np

NUM_EMB = 1000000
EMB_DIM = 64
GROUP_SIZE = 32
N_GROUPS = EMB_DIM // GROUP_SIZE


def setup_inputs(seed: int = 0) -> dict:
    key = jax.random.key(seed)
    k1, k2, k3, k4 = jax.random.split(key, 4)
    x = jax.random.randint(k1, (4096, 50), 0, NUM_EMB, dtype=jnp.int32)
    # int4 values stored in int8 container, range [-8, 7]
    weight = jax.random.randint(k2, (NUM_EMB, EMB_DIM), -8, 8, dtype=jnp.int8)
    scale = jax.random.uniform(k3, (NUM_EMB, N_GROUPS), dtype=jnp.float32) * 0.1 + 0.01
    zero_point = jax.random.randint(k4, (NUM_EMB, N_GROUPS), -4, 4).astype(jnp.float32)
    return {"x": x, "weight": weight, "scale": scale, "zero_point": zero_point}


def reference(x, weight, scale, zero_point):
    # Dequantize per-channel-group: w_dq[r, g*G:(g+1)*G] = (w - zp[r,g]) * scale[r,g]
    w = weight.astype(jnp.float32).reshape(NUM_EMB, N_GROUPS, GROUP_SIZE)
    w_dq = (w - zero_point[:, :, None]) * scale[:, :, None]
    w_dq = w_dq.reshape(NUM_EMB, EMB_DIM)
    # F.embedding with padding_idx=None, max_norm=None -> plain gather
    return jnp.take(w_dq, x, axis=0)

if __name__ == "__main__":
    import jax
    _d = setup_inputs()
    print(jax.jit(kernel)(*tuple(_d.values())))

</pallas_src>

<mosaic_0001>
#map = affine_map<(d0, d1) -> (0, 0)>
#map1 = affine_map<(d0, d1) -> (0)>
module attributes {stable_mosaic.version = 14 : i64} {
  func.func @gather_kernel(%arg0: i32, %arg1: i32, %arg2: memref<1000000x64xi8, #tpu.memory_space<hbm>>, %arg3: memref<500000x8xf32, #tpu.memory_space<hbm>>, %arg4: memref<204800xi32, #tpu.memory_space<hbm>>, %arg5: memref<204800x64xi8, #tpu.memory_space<hbm>>, %arg6: memref<204800x8xf32, #tpu.memory_space<hbm>>, %arg7: memref<6400xi32, #tpu.memory_space<vmem>>, %arg8: memref<128xi32, #tpu.memory_space<vmem>>, %arg9: memref<128x64xi8, #tpu.memory_space<vmem>>, %arg10: memref<128x8xf32, #tpu.memory_space<vmem>>, %arg11: memref<128x8xf32, #tpu.memory_space<vmem>>, %arg12: memref<!tpu.dma_semaphore, #tpu.memory_space<semaphore_mem>>, %arg13: memref<!tpu.dma_semaphore, #tpu.memory_space<semaphore_mem>>) attributes {dimension_semantics = [#tpu.dimension_semantics<core_parallel>, #tpu.dimension_semantics<subcore_parallel>], iteration_bounds = array<i64: 2, 16>, scalar_prefetch = 0 : i64, scratch_operands = 7 : i64, tpu.core_type = #tpu.core_type<sc_vector_subcore>, window_params = [{transform_indices = #map}, {transform_indices = #map}, {transform_indices = #map1}, {transform_indices = #map}, {transform_indices = #map}]} {
    %mul3A = arith.constant 2 : i32
    %mul3A_0 = arith.muli %arg1, %mul3A : i32
    %add3A = arith.addi %mul3A_0, %arg0 : i32
    %mul3A_1 = arith.constant 6400 : i32
    %mul3A_2 = arith.muli %add3A, %mul3A_1 : i32
    "tpu.region"() ({
      %run_scoped3A = tpu.sem_alloc : memref<!tpu.dma_semaphore, #tpu.memory_space<semaphore_mem>>
      %dma_start3A = tpu.memref_slice %arg4[%mul3A_2] : memref<204800xi32, #tpu.memory_space<hbm>> -> memref<6400xi32, #tpu.memory_space<hbm>>
      %dma_start3A_8 = tpu.memref_slice %arg4[%mul3A_2] : memref<204800xi32, #tpu.memory_space<hbm>> -> memref<6400xi32, #tpu.memory_space<hbm>>
      tpu.enqueue_dma source(%dma_start3A_8 : memref<6400xi32, #tpu.memory_space<hbm>>) target(%arg7 : memref<6400xi32, #tpu.memory_space<vmem>>) target_semaphore(%run_scoped3A : memref<!tpu.dma_semaphore, #tpu.memory_space<semaphore_mem>>)
      %dma_wait3A = tpu.memref_slice %arg4[%mul3A_2] : memref<204800xi32, #tpu.memory_space<hbm>> -> memref<6400xi32, #tpu.memory_space<hbm>>
      %dma_wait3A_9 = tpu.memref_slice %arg4[%mul3A_2] : memref<204800xi32, #tpu.memory_space<hbm>> -> memref<6400xi32, #tpu.memory_space<hbm>>
      tpu.wait_dma2 semaphore(%run_scoped3A : memref<!tpu.dma_semaphore, #tpu.memory_space<semaphore_mem>>) src(%dma_wait3A_9 : memref<6400xi32, #tpu.memory_space<hbm>>) dst(%arg7 : memref<6400xi32, #tpu.memory_space<vmem>>)
      tpu.yield
    }) : () -> ()
    %scan3A = arith.constant 0 : i32
    %scan3A_3 = arith.constant 0 : i32
    %scan3A_4 = arith.constant 50 : i32
    %scan3A_5 = arith.addi %scan3A_3, %scan3A_4 : i32
    %scan3A_6 = arith.constant 1 : i32
    scf.for %scan3A_8 = %scan3A_3 to %scan3A_5 step %scan3A_6  : i32 {
      %mul3A_9 = arith.constant 128 : i32
      %mul3A_10 = arith.muli %scan3A_8, %mul3A_9 : i32
      %dma_start3A = tpu.memref_slice %arg7[%mul3A_10] : memref<6400xi32, #tpu.memory_space<vmem>> -> memref<128xi32, #tpu.memory_space<vmem>>
      %dma_start3A_11 = arith.constant 0 : i32
      %dma_start3A_12 = arith.constant 0 : i32
      %dma_start3A_13 = tpu.memref_slice %arg2[%dma_start3A_11, %dma_start3A_12] : memref<1000000x64xi8, #tpu.memory_space<hbm>> -> memref<1000000x64xi8, #tpu.memory_space<hbm>>
      tpu.enqueue_indirect_dma source(%dma_start3A_13 : memref<1000000x64xi8, #tpu.memory_space<hbm>>) target(%arg9 : memref<128x64xi8, #tpu.memory_space<vmem>>) offsets(%dma_start3A : memref<128xi32, #tpu.memory_space<vmem>>) semaphore(%arg12 : memref<!tpu.dma_semaphore, #tpu.memory_space<semaphore_mem>>)
      %mul3A_14 = arith.constant 128 : i32
      %mul3A_15 = arith.muli %scan3A_8, %mul3A_14 : i32
      %add3A_16 = arith.constant 0 : i32
      %add3A_17 = arith.addi %mul3A_15, %add3A_16 : i32
      %get3A = arith.index_cast %add3A_17 : i32 to index
      %get3A_18 = tpu.vector_load %arg7[%get3A] {strides = array<i32>} : memref<6400xi32, #tpu.memory_space<vmem>>, vector<16xi32>,
      %shift_right_arithmetic3A = arith.constant 1 : i32
      %shift_right_arithmetic3A_19 = vector.broadcast %shift_right_arithmetic3A : i32 to vector<16xi32>
      %shift_right_arithmetic3A_20 = arith.shrsi %get3A_18, %shift_right_arithmetic3A_19 : vector<16xi32>
      %swap3A = arith.constant 0 : index
      %swap3A_21 = tpu.vector_load %arg8[%swap3A] {strides = array<i32>} : memref<128xi32, #tpu.memory_space<vmem>>, vector<16xi32>,
      tpu.vector_store %arg8[%swap3A], %shift_right_arithmetic3A_20 {strides = array<i32>} : memref<128xi32, #tpu.memory_space<vmem>>, vector<16xi32>,
      %mul3A_22 = arith.constant 128 : i32
      %mul3A_23 = arith.muli %scan3A_8, %mul3A_22 : i32
      %add3A_24 = arith.constant 16 : i32
      %add3A_25 = arith.addi %mul3A_23, %add3A_24 : i32
      %get3A_26 = arith.index_cast %add3A_25 : i32 to index
      %get3A_27 = tpu.vector_load %arg7[%get3A_26] {strides = array<i32>} : memref<6400xi32, #tpu.memory_space<vmem>>, vector<16xi32>,
      %shift_right_arithmetic3A_28 = arith.constant 1 : i32
      %shift_right_arithmetic3A_29 = vector.broadcast %shift_right_arithmetic3A_28 : i32 to vector<16xi32>
      %shift_right_arithmetic3A_30 = arith.shrsi %get3A_27, %shift_right_arithmetic3A_29 : vector<16xi32>
      %swap3A_31 = arith.constant 16 : index
      %swap3A_32 = tpu.vector_load %arg8[%swap3A_31] {strides = array<i32>} : memref<128xi32, #tpu.memory_space<vmem>>, vector<16xi32>,
      tpu.vector_store %arg8[%swap3A_31], %shift_right_arithmetic3A_30 {strides = array<i32>} : memref<128xi32, #tpu.memory_space<vmem>>, vector<16xi32>,
      %mul3A_33 = arith.constant 128 : i32
      %mul3A_34 = arith.muli %scan3A_8, %mul3A_33 : i32
      %add3A_35 = arith.constant 32 : i32
      %add3A_36 = arith.addi %mul3A_34, %add3A_35 : i32
      %get3A_37 = arith.index_cast %add3A_36 : i32 to index
      %get3A_38 = tpu.vector_load %arg7[%get3A_37] {strides = array<i32>} : memref<6400xi32, #tpu.memory_space<vmem>>, vector<16xi32>,
      %shift_right_arithmetic3A_39 = arith.constant 1 : i32
      %shift_right_arithmetic3A_40 = vector.broadcast %shift_right_arithmetic3A_39 : i32 to vector<16xi32>
      %shift_right_arithmetic3A_41 = arith.shrsi %get3A_38, %shift_right_arithmetic3A_40 : vector<16xi32>
      %swap3A_42 = arith.constant 32 : index
      %swap3A_43 = tpu.vector_load %arg8[%swap3A_42] {strides = array<i32>} : memref<128xi32, #tpu.memory_space<vmem>>, vector<16xi32>,
      tpu.vector_store %arg8[%swap3A_42], %shift_right_arithmetic3A_41 {strides = array<i32>} : memref<128xi32, #tpu.memory_space<vmem>>, vector<16xi32>,
      %mul3A_44 = arith.constant 128 : i32
      %mul3A_45 = arith.muli %scan3A_8, %mul3A_44 : i32
      %add3A_46 = arith.constant 48 : i32
      %add3A_47 = arith.addi %mul3A_45, %add3A_46 : i32
      %get3A_48 = arith.index_cast %add3A_47 : i32 to index
      %get3A_49 = tpu.vector_load %arg7[%get3A_48] {strides = array<i32>} : memref<6400xi32, #tpu.memory_space<vmem>>, vector<16xi32>,
      %shift_right_arithmetic3A_50 = arith.constant 1 : i32
      %shift_right_arithmetic3A_51 = vector.broadcast %shift_right_arithmetic3A_50 : i32 to vector<16xi32>
      %shift_right_arithmetic3A_52 = arith.shrsi %get3A_49, %shift_right_arithmetic3A_51 : vector<16xi32>
      %swap3A_53 = arith.constant 48 : index
      %swap3A_54 = tpu.vector_load %arg8[%swap3A_53] {strides = array<i32>} : memref<128xi32, #tpu.memory_space<vmem>>, vector<16xi32>,
      tpu.vector_store %arg8[%swap3A_53], %shift_right_arithmetic3A_52 {strides = array<i32>} : memref<128xi32, #tpu.memory_space<vmem>>, vector<16xi32>,
      %mul3A_55 = arith.constant 128 : i32
      %mul3A_56 = arith.muli %scan3A_8, %mul3A_55 : i32
      %add3A_57 = arith.constant 64 : i32
      %add3A_58 = arith.addi %mul3A_56, %add3A_57 : i32
      %get3A_59 = arith.index_cast %add3A_58 : i32 to index
      %get3A_60 = tpu.vector_load %arg7[%get3A_59] {strides = array<i32>} : memref<6400xi32, #tpu.memory_space<vmem>>, vector<16xi32>,
      %shift_right_arithmetic3A_61 = arith.constant 1 : i32
      %shift_right_arithmetic3A_62 = vector.broadcast %shift_right_arithmetic3A_61 : i32 to vector<16xi32>
      %shift_right_arithmetic3A_63 = arith.shrsi %get3A_60, %shift_right_arithmetic3A_62 : vector<16xi32>
      %swap3A_64 = arith.constant 64 : index
      %swap3A_65 = tpu.vector_load %arg8[%swap3A_64] {strides = array<i32>} : memref<128xi32, #tpu.memory_space<vmem>>, vector<16xi32>,
      tpu.vector_store %arg8[%swap3A_64], %shift_right_arithmetic3A_63 {strides = array<i32>} : memref<128xi32, #tpu.memory_space<vmem>>, vector<16xi32>,
      %mul3A_66 = arith.constant 128 : i32
      %mul3A_67 = arith.muli %scan3A_8, %mul3A_66 : i32
      %add3A_68 = arith.constant 80 : i32
      %add3A_69 = arith.addi %mul3A_67, %add3A_68 : i32
      %get3A_70 = arith.index_cast %add3A_69 : i32 to index
      %get3A_71 = tpu.vector_load %arg7[%get3A_70] {strides = array<i32>} : memref<6400xi32, #tpu.memory_space<vmem>>, vector<16xi32>,
      %shift_right_arithmetic3A_72 = arith.constant 1 : i32
      %shift_right_arithmetic3A_73 = vector.broadcast %shift_right_arithmetic3A_72 : i32 to vector<16xi32>
      %shift_right_arithmetic3A_74 = arith.shrsi %get3A_71, %shift_right_arithmetic3A_73 : vector<16xi32>
      %swap3A_75 = arith.constant 80 : index
      %swap3A_76 = tpu.vector_load %arg8[%swap3A_75] {strides = array<i32>} : memref<128xi32, #tpu.memory_space<vmem>>, vector<16xi32>,
      tpu.vector_store %arg8[%swap3A_75], %shift_right_arithmetic3A_74 {strides = array<i32>} : memref<128xi32, #tpu.memory_space<vmem>>, vector<16xi32>,
      %mul3A_77 = arith.constant 128 : i32
      %mul3A_78 = arith.muli %scan3A_8, %mul3A_77 : i32
      %add3A_79 = arith.constant 96 : i32
      %add3A_80 = arith.addi %mul3A_78, %add3A_79 : i32
      %get3A_81 = arith.index_cast %add3A_80 : i32 to index
      %get3A_82 = tpu.vector_load %arg7[%get3A_81] {strides = array<i32>} : memref<6400xi32, #tpu.memory_space<vmem>>, vector<16xi32>,
      %shift_right_arithmetic3A_83 = arith.constant 1 : i32
      %shift_right_arithmetic3A_84 = vector.broadcast %shift_right_arithmetic3A_83 : i32 to vector<16xi32>
      %shift_right_arithmetic3A_85 = arith.shrsi %get3A_82, %shift_right_arithmetic3A_84 : vector<16xi32>
      %swap3A_86 = arith.constant 96 : index
      %swap3A_87 = tpu.vector_load %arg8[%swap3A_86] {strides = array<i32>} : memref<128xi32, #tpu.memory_space<vmem>>, vector<16xi32>,
      tpu.vector_store %arg8[%swap3A_86], %shift_right_arithmetic3A_85 {strides = array<i32>} : memref<128xi32, #tpu.memory_space<vmem>>, vector<16xi32>,
      %mul3A_88 = arith.constant 128 : i32
      %mul3A_89 = arith.muli %scan3A_8, %mul3A_88 : i32
      %add3A_90 = arith.constant 112 : i32
      %add3A_91 = arith.addi %mul3A_89, %add3A_90 : i32
      %get3A_92 = arith.index_cast %add3A_91 : i32 to index
      %get3A_93 = tpu.vector_load %arg7[%get3A_92] {strides = array<i32>} : memref<6400xi32, #tpu.memory_space<vmem>>, vector<16xi32>,
      %shift_right_arithmetic3A_94 = arith.constant 1 : i32
      %shift_right_arithmetic3A_95 = vector.broadcast %shift_right_arithmetic3A_94 : i32 to vector<16xi32>
      %shift_right_arithmetic3A_96 = arith.shrsi %get3A_93, %shift_right_arithmetic3A_95 : vector<16xi32>
      %swap3A_97 = arith.constant 112 : index
      %swap3A_98 = tpu.vector_load %arg8[%swap3A_97] {strides = array<i32>} : memref<128xi32, #tpu.memory_space<vmem>>, vector<16xi32>,
      tpu.vector_store %arg8[%swap3A_97], %shift_right_arithmetic3A_96 {strides = array<i32>} : memref<128xi32, #tpu.memory_space<vmem>>, vector<16xi32>,
      %dma_start3A_99 = arith.constant 0 : i32
      %dma_start3A_100 = arith.constant 0 : i32
      %dma_start3A_101 = tpu.memref_slice %arg3[%dma_start3A_99, %dma_start3A_100] : memref<500000x8xf32, #tpu.memory_space<hbm>> -> memref<500000x8xf32, #tpu.memory_space<hbm>>
      tpu.enqueue_indirect_dma source(%dma_start3A_101 : memref<500000x8xf32, #tpu.memory_space<hbm>>) target(%arg10 : memref<128x8xf32, #tpu.memory_space<vmem>>) offsets(%arg8 : memref<128xi32, #tpu.memory_space<vmem>>) semaphore(%arg13 : memref<!tpu.dma_semaphore, #tpu.memory_space<semaphore_mem>>)
      %dma_wait3A = arith.constant 0 : i32
      %dma_wait3A_102 = arith.constant 0 : i32
      %dma_wait3A_103 = tpu.memref_slice %arg3[%dma_wait3A, %dma_wait3A_102] : memref<500000x8xf32, #tpu.memory_space<hbm>> -> memref<500000x8xf32, #tpu.memory_space<hbm>>
      tpu.wait_indirect_dma semaphore(%arg13 : memref<!tpu.dma_semaphore, #tpu.memory_space<semaphore_mem>>) src(%dma_wait3A_103 : memref<500000x8xf32, #tpu.memory_space<hbm>>) dst(%arg10 : memref<128x8xf32, #tpu.memory_space<vmem>>)
      %mul3A_104 = arith.constant 128 : i32
      %mul3A_105 = arith.muli %scan3A_8, %mul3A_104 : i32
      %add3A_106 = arith.constant 0 : i32
      %add3A_107 = arith.addi %mul3A_105, %add3A_106 : i32
      %get3A_108 = arith.index_cast %add3A_107 : i32 to index
      %get3A_109 = tpu.vector_load %arg7[%get3A_108] {strides = array<i32>} : memref<6400xi32, #tpu.memory_space<vmem>>, vector<16xi32>,
      %and3A = arith.constant 1 : i32
      %and3A_110 = vector.broadcast %and3A : i32 to vector<16xi32>
      %and3A_111 = arith.andi %get3A_109, %and3A_110 : vector<16xi32>
      %mul3A_112 = arith.constant 4 : i32
      %mul3A_113 = vector.broadcast %mul3A_112 : i32 to vector<16xi32>
      %mul3A_114 = arith.muli %and3A_111, %mul3A_113 : vector<16xi32>
      %iota3A = tpu.iota {dimensions = array<i32: 0>} : vector<16xi32>
      %add3A_115 = arith.constant 0 : i32
      %add3A_116 = vector.broadcast %add3A_115 : i32 to vector<16xi32>
      %add3A_117 = arith.addi %iota3A, %add3A_116 : vector<16xi32>
      %broadcast_in_dim3A = arith.constant 0 : i32
      %broadcast_in_dim3A_118 = vector.broadcast %broadcast_in_dim3A : i32 to vector<16xi32>
      %add3A_119 = arith.constant 0 : i32
      %add3A_120 = vector.broadcast %add3A_119 : i32 to vector<16xi32>
      %add3A_121 = arith.addi %mul3A_114, %add3A_120 : vector<16xi32>
      %gather3A = tpu.vector_load_idx %arg10[%add3A_117, %add3A_121] : memref<128x8xf32, #tpu.memory_space<vmem>>[vector<16xi32>, vector<16xi32>], vector<16xf32>,
      %add3A_122 = arith.constant 0 : i32
      %add3A_123 = vector.broadcast %add3A_122 : i32 to vector<16xi32>
      %add3A_124 = arith.addi %broadcast_in_dim3A_118, %add3A_123 : vector<16xi32>
      tpu.vector_store_idx %arg11[%add3A_117, %add3A_124], %gather3A : memref<128x8xf32, #tpu.memory_space<vmem>>[vector<16xi32>, vector<16xi32>], vector<16xf32>,
      %add3A_125 = arith.constant 1 : i32
      %add3A_126 = vector.broadcast %add3A_125 : i32 to vector<16xi32>
      %add3A_127 = arith.addi %mul3A_114, %add3A_126 : vector<16xi32>
      %gather3A_128 = tpu.vector_load_idx %arg10[%add3A_117, %add3A_127] : memref<128x8xf32, #tpu.memory_space<vmem>>[vector<16xi32>, vector<16xi32>], vector<16xf32>,
      %add3A_129 = arith.constant 1 : i32
      %add3A_130 = vector.broadcast %add3A_129 : i32 to vector<16xi32>
      %add3A_131 = arith.addi %broadcast_in_dim3A_118, %add3A_130 : vector<16xi32>
      tpu.vector_store_idx %arg11[%add3A_117, %add3A_131], %gather3A_128 : memref<128x8xf32, #tpu.memory_space<vmem>>[vector<16xi32>, vector<16xi32>], vector<16xf32>,
      %add3A_132 = arith.constant 2 : i32
      %add3A_133 = vector.broadcast %add3A_132 : i32 to vector<16xi32>
      %add3A_134 = arith.addi %mul3A_114, %add3A_133 : vector<16xi32>
      %gather3A_135 = tpu.vector_load_idx %arg10[%add3A_117, %add3A_134] : memref<128x8xf32, #tpu.memory_space<vmem>>[vector<16xi32>, vector<16xi32>], vector<16xf32>,
      %add3A_136 = arith.constant 2 : i32
      %add3A_137 = vector.broadcast %add3A_136 : i32 to vector<16xi32>
      %add3A_138 = arith.addi %broadcast_in_dim3A_118, %add3A_137 : vector<16xi32>
      tpu.vector_store_idx %arg11[%add3A_117, %add3A_138], %gather3A_135 : memref<128x8xf32, #tpu.memory_space<vmem>>[vector<16xi32>, vector<16xi32>], vector<16xf32>,
      %add3A_139 = arith.constant 3 : i32
      %add3A_140 = vector.broadcast %add3A_139 : i32 to vector<16xi32>
      %add3A_141 = arith.addi %mul3A_114, %add3A_140 : vector<16xi32>
      %gather3A_142 = tpu.vector_load_idx %arg10[%add3A_117, %add3A_141] : memref<128x8xf32, #tpu.memory_space<vmem>>[vector<16xi32>, vector<16xi32>], vector<16xf32>,
      %add3A_143 = arith.constant 3 : i32
      %add3A_144 = vector.broadcast %add3A_143 : i32 to vector<16xi32>
      %add3A_145 = arith.addi %broadcast_in_dim3A_118, %add3A_144 : vector<16xi32>
      tpu.vector_store_idx %arg11[%add3A_117, %add3A_145], %gather3A_142 : memref<128x8xf32, #tpu.memory_space<vmem>>[vector<16xi32>, vector<16xi32>], vector<16xf32>,
      %mul3A_146 = arith.constant 128 : i32
      %mul3A_147 = arith.muli %scan3A_8, %mul3A_146 : i32
      %add3A_148 = arith.constant 16 : i32
      %add3A_149 = arith.addi %mul3A_147, %add3A_148 : i32
      %get3A_150 = arith.index_cast %add3A_149 : i32 to index
      %get3A_151 = tpu.vector_load %arg7[%get3A_150] {strides = array<i32>} : memref<6400xi32, #tpu.memory_space<vmem>>, vector<16xi32>,
      %and3A_152 = arith.constant 1 : i32
      %and3A_153 = vector.broadcast %and3A_152 : i32 to vector<16xi32>
      %and3A_154 = arith.andi %get3A_151, %and3A_153 : vector<16xi32>
      %mul3A_155 = arith.constant 4 : i32
      %mul3A_156 = vector.broadcast %mul3A_155 : i32 to vector<16xi32>
      %mul3A_157 = arith.muli %and3A_154, %mul3A_156 : vector<16xi32>
      %iota3A_158 = tpu.iota {dimensions = array<i32: 0>} : vector<16xi32>
      %add3A_159 = arith.constant 16 : i32
      %add3A_160 = vector.broadcast %add3A_159 : i32 to vector<16xi32>
      %add3A_161 = arith.addi %iota3A_158, %add3A_160 : vector<16xi32>
      %broadcast_in_dim3A_162 = arith.constant 0 : i32
      %broadcast_in_dim3A_163 = vector.broadcast %broadcast_in_dim3A_162 : i32 to vector<16xi32>
      %add3A_164 = arith.constant 0 : i32
      %add3A_165 = vector.broadcast %add3A_164 : i32 to vector<16xi32>
      %add3A_166 = arith.addi %mul3A_157, %add3A_165 : vector<16xi32>
      %gather3A_167 = tpu.vector_load_idx %arg10[%add3A_161, %add3A_166] : memref<128x8xf32, #tpu.memory_space<vmem>>[vector<16xi32>, vector<16xi32>], vector<16xf32>,
      %add3A_168 = arith.constant 0 : i32
      %add3A_169 = vector.broadcast %add3A_168 : i32 to vector<16xi32>
      %add3A_170 = arith.addi %broadcast_in_dim3A_163, %add3A_169 : vector<16xi32>
      tpu.vector_store_idx %arg11[%add3A_161, %add3A_170], %gather3A_167 : memref<128x8xf32, #tpu.memory_space<vmem>>[vector<16xi32>, vector<16xi32>], vector<16xf32>,
      %add3A_171 = arith.constant 1 : i32
      %add3A_172 = vector.broadcast %add3A_171 : i32 to vector<16xi32>
      %add3A_173 = arith.addi %mul3A_157, %add3A_172 : vector<16xi32>
      %gather3A_174 = tpu.vector_load_idx %arg10[%add3A_161, %add3A_173] : memref<128x8xf32, #tpu.memory_space<vmem>>[vector<16xi32>, vector<16xi32>], vector<16xf32>,
      %add3A_175 = arith.constant 1 : i32
      %add3A_176 = vector.broadcast %add3A_175 : i32 to vector<16xi32>
      %add3A_177 = arith.addi %broadcast_in_dim3A_163, %add3A_176 : vector<16xi32>
      tpu.vector_store_idx %arg11[%add3A_161, %add3A_177], %gather3A_174 : memref<128x8xf32, #tpu.memory_space<vmem>>[vector<16xi32>, vector<16xi32>], vector<16xf32>,
      %add3A_178 = arith.constant 2 : i32
      %add3A_179 = vector.broadcast %add3A_178 : i32 to vector<16xi32>
      %add3A_180 = arith.addi %mul3A_157, %add3A_179 : vector<16xi32>
      %gather3A_181 = tpu.vector_load_idx %arg10[%add3A_161, %add3A_180] : memref<128x8xf32, #tpu.memory_space<vmem>>[vector<16xi32>, vector<16xi32>], vector<16xf32>,
      %add3A_182 = arith.constant 2 : i32
      %add3A_183 = vector.broadcast %add3A_182 : i32 to vector<16xi32>
      %add3A_184 = arith.addi %broadcast_in_dim3A_163, %add3A_183 : vector<16xi32>
      tpu.vector_store_idx %arg11[%add3A_161, %add3A_184], %gather3A_181 : memref<128x8xf32, #tpu.memory_space<vmem>>[vector<16xi32>, vector<16xi32>], vector<16xf32>,
      %add3A_185 = arith.constant 3 : i32
      %add3A_186 = vector.broadcast %add3A_185 : i32 to vector<16xi32>
      %add3A_187 = arith.addi %mul3A_157, %add3A_186 : vector<16xi32>
      %gather3A_188 = tpu.vector_load_idx %arg10[%add3A_161, %add3A_187] : memref<128x8xf32, #tpu.memory_space<vmem>>[vector<16xi32>, vector<16xi32>], vector<16xf32>,
      %add3A_189 = arith.constant 3 : i32
      %add3A_190 = vector.broadcast %add3A_189 : i32 to vector<16xi32>
      %add3A_191 = arith.addi %broadcast_in_dim3A_163, %add3A_190 : vector<16xi32>
      tpu.vector_store_idx %arg11[%add3A_161, %add3A_191], %gather3A_188 : memref<128x8xf32, #tpu.memory_space<vmem>>[vector<16xi32>, vector<16xi32>], vector<16xf32>,
      %mul3A_192 = arith.constant 128 : i32
      %mul3A_193 = arith.muli %scan3A_8, %mul3A_192 : i32
      %add3A_194 = arith.constant 32 : i32
      %add3A_195 = arith.addi %mul3A_193, %add3A_194 : i32
      %get3A_196 = arith.index_cast %add3A_195 : i32 to index
      %get3A_197 = tpu.vector_load %arg7[%get3A_196] {strides = array<i32>} : memref<6400xi32, #tpu.memory_space<vmem>>, vector<16xi32>,
      %and3A_198 = arith.constant 1 : i32
      %and3A_199 = vector.broadcast %and3A_198 : i32 to vector<16xi32>
      %and3A_200 = arith.andi %get3A_197, %and3A_199 : vector<16xi32>
      %mul3A_201 = arith.constant 4 : i32
      %mul3A_202 = vector.broadcast %mul3A_201 : i32 to vector<16xi32>
      %mul3A_203 = arith.muli %and3A_200, %mul3A_202 : vector<16xi32>
      %iota3A_204 = tpu.iota {dimensions = array<i32: 0>} : vector<16xi32>
      %add3A_205 = arith.constant 32 : i32
      %add3A_206 = vector.broadcast %add3A_205 : i32 to vector<16xi32>
      %add3A_207 = arith.addi %iota3A_204, %add3A_206 : vector<16xi32>
      %broadcast_in_dim3A_208 = arith.constant 0 : i32
      %broadcast_in_dim3A_209 = vector.broadcast %broadcast_in_dim3A_208 : i32 to vector<16xi32>
      %add3A_210 = arith.constant 0 : i32
      %add3A_211 = vector.broadcast %add3A_210 : i32 to vector<16xi32>
      %add3A_212 = arith.addi %mul3A_203, %add3A_211 : vector<16xi32>
      %gather3A_213 = tpu.vector_load_idx %arg10[%add3A_207, %add3A_212] : memref<128x8xf32, #tpu.memory_space<vmem>>[vector<16xi32>, vector<16xi32>], vector<16xf32>,
      %add3A_214 = arith.constant 0 : i32
      %add3A_215 = vector.broadcast %add3A_214 : i32 to vector<16xi32>
      %add3A_216 = arith.addi %broadcast_in_dim3A_209, %add3A_215 : vector<16xi32>
      tpu.vector_store_idx %arg11[%add3A_207, %add3A_216], %gather3A_213 : memref<128x8xf32, #tpu.memory_space<vmem>>[vector<16xi32>, vector<16xi32>], vector<16xf32>,
      %add3A_217 = arith.constant 1 : i32
      %add3A_218 = vector.broadcast %add3A_217 : i32 to vector<16xi32>
      %add3A_219 = arith.addi %mul3A_203, %add3A_218 : vector<16xi32>
      %gather3A_220 = tpu.vector_load_idx %arg10[%add3A_207, %add3A_219] : memref<128x8xf32, #tpu.memory_space<vmem>>[vector<16xi32>, vector<16xi32>], vector<16xf32>,
      %add3A_221 = arith.constant 1 : i32
      %add3A_222 = vector.broadcast %add3A_221 : i32 to vector<16xi32>
      %add3A_223 = arith.addi %broadcast_in_dim3A_209, %add3A_222 : vector<16xi32>
      tpu.vector_store_idx %arg11[%add3A_207, %add3A_223], %gather3A_220 : memref<128x8xf32, #tpu.memory_space<vmem>>[vector<16xi32>, vector<16xi32>], vector<16xf32>,
      %add3A_224 = arith.constant 2 : i32
      %add3A_225 = vector.broadcast %add3A_224 : i32 to vector<16xi32>
      %add3A_226 = arith.addi %mul3A_203, %add3A_225 : vector<16xi32>
      %gather3A_227 = tpu.vector_load_idx %arg10[%add3A_207, %add3A_226] : memref<128x8xf32, #tpu.memory_space<vmem>>[vector<16xi32>, vector<16xi32>], vector<16xf32>,
      %add3A_228 = arith.constant 2 : i32
      %add3A_229 = vector.broadcast %add3A_228 : i32 to vector<16xi32>
      %add3A_230 = arith.addi %broadcast_in_dim3A_209, %add3A_229 : vector<16xi32>
      tpu.vector_store_idx %arg11[%add3A_207, %add3A_230], %gather3A_227 : memref<128x8xf32, #tpu.memory_space<vmem>>[vector<16xi32>, vector<16xi32>], vector<16xf32>,
      %add3A_231 = arith.constant 3 : i32
      %add3A_232 = vector.broadcast %add3A_231 : i32 to vector<16xi32>
      %add3A_233 = arith.addi %mul3A_203, %add3A_232 : vector<16xi32>
      %gather3A_234 = tpu.vector_load_idx %arg10[%add3A_207, %add3A_233] : memref<128x8xf32, #tpu.memory_space<vmem>>[vector<16xi32>, vector<16xi32>], vector<16xf32>,
      %add3A_235 = arith.constant 3 : i32
      %add3A_236 = vector.broadcast %add3A_235 : i32 to vector<16xi32>
      %add3A_237 = arith.addi %broadcast_in_dim3A_209, %add3A_236 : vector<16xi32>
      tpu.vector_store_idx %arg11[%add3A_207, %add3A_237], %gather3A_234 : memref<128x8xf32, #tpu.memory_space<vmem>>[vector<16xi32>, vector<16xi32>], vector<16xf32>,
      %mul3A_238 = arith.constant 128 : i32
      %mul3A_239 = arith.muli %scan3A_8, %mul3A_238 : i32
      %add3A_240 = arith.constant 48 : i32
      %add3A_241 = arith.addi %mul3A_239, %add3A_240 : i32
      %get3A_242 = arith.index_cast %add3A_241 : i32 to index
      %get3A_243 = tpu.vector_load %arg7[%get3A_242] {strides = array<i32>} : memref<6400xi32, #tpu.memory_space<vmem>>, vector<16xi32>,
      %and3A_244 = arith.constant 1 : i32
      %and3A_245 = vector.broadcast %and3A_244 : i32 to vector<16xi32>
      %and3A_246 = arith.andi %get3A_243, %and3A_245 : vector<16xi32>
      %mul3A_247 = arith.constant 4 : i32
      %mul3A_248 = vector.broadcast %mul3A_247 : i32 to vector<16xi32>
      %mul3A_249 = arith.muli %and3A_246, %mul3A_248 : vector<16xi32>
      %iota3A_250 = tpu.iota {dimensions = array<i32: 0>} : vector<16xi32>
      %add3A_251 = arith.constant 48 : i32
      %add3A_252 = vector.broadcast %add3A_251 : i32 to vector<16xi32>
      %add3A_253 = arith.addi %iota3A_250, %add3A_252 : vector<16xi32>
      %broadcast_in_dim3A_254 = arith.constant 0 : i32
      %broadcast_in_dim3A_255 = vector.broadcast %broadcast_in_dim3A_254 : i32 to vector<16xi32>
      %add3A_256 = arith.constant 0 : i32
      %add3A_257 = vector.broadcast %add3A_256 : i32 to vector<16xi32>
      %add3A_258 = arith.addi %mul3A_249, %add3A_257 : vector<16xi32>
      %gather3A_259 = tpu.vector_load_idx %arg10[%add3A_253, %add3A_258] : memref<128x8xf32, #tpu.memory_space<vmem>>[vector<16xi32>, vector<16xi32>], vector<16xf32>,
      %add3A_260 = arith.constant 0 : i32
      %add3A_261 = vector.broadcast %add3A_260 : i32 to vector<16xi32>
      %add3A_262 = arith.addi %broadcast_in_dim3A_255, %add3A_261 : vector<16xi32>
      tpu.vector_store_idx %arg11[%add3A_253, %add3A_262], %gather3A_259 : memref<128x8xf32, #tpu.memory_space<vmem>>[vector<16xi32>, vector<16xi32>], vector<16xf32>,
      %add3A_263 = arith.constant 1 : i32
      %add3A_264 = vector.broadcast %add3A_263 : i32 to vector<16xi32>
      %add3A_265 = arith.addi %mul3A_249, %add3A_264 : vector<16xi32>
      %gather3A_266 = tpu.vector_load_idx %arg10[%add3A_253, %add3A_265] : memref<128x8xf32, #tpu.memory_space<vmem>>[vector<16xi32>, vector<16xi32>], vector<16xf32>,
      %add3A_267 = arith.constant 1 : i32
      %add3A_268 = vector.broadcast %add3A_267 : i32 to vector<16xi32>
      %add3A_269 = arith.addi %broadcast_in_dim3A_255, %add3A_268 : vector<16xi32>
      tpu.vector_store_idx %arg11[%add3A_253, %add3A_269], %gather3A_266 : memref<128x8xf32, #tpu.memory_space<vmem>>[vector<16xi32>, vector<16xi32>], vector<16xf32>,
      %add3A_270 = arith.constant 2 : i32
      %add3A_271 = vector.broadcast %add3A_270 : i32 to vector<16xi32>
      %add3A_272 = arith.addi %mul3A_249, %add3A_271 : vector<16xi32>
      %gather3A_273 = tpu.vector_load_idx %arg10[%add3A_253, %add3A_272] : memref<128x8xf32, #tpu.memory_space<vmem>>[vector<16xi32>, vector<16xi32>], vector<16xf32>,
      %add3A_274 = arith.constant 2 : i32
      %add3A_275 = vector.broadcast %add3A_274 : i32 to vector<16xi32>
      %add3A_276 = arith.addi %broadcast_in_dim3A_255, %add3A_275 : vector<16xi32>
      tpu.vector_store_idx %arg11[%add3A_253, %add3A_276], %gather3A_273 : memref<128x8xf32, #tpu.memory_space<vmem>>[vector<16xi32>, vector<16xi32>], vector<16xf32>,
      %add3A_277 = arith.constant 3 : i32
      %add3A_278 = vector.broadcast %add3A_277 : i32 to vector<16xi32>
      %add3A_279 = arith.addi %mul3A_249, %add3A_278 : vector<16xi32>
      %gather3A_280 = tpu.vector_load_idx %arg10[%add3A_253, %add3A_279] : memref<128x8xf32, #tpu.memory_space<vmem>>[vector<16xi32>, vector<16xi32>], vector<16xf32>,
      %add3A_281 = arith.constant 3 : i32
      %add3A_282 = vector.broadcast %add3A_281 : i32 to vector<16xi32>
      %add3A_283 = arith.addi %broadcast_in_dim3A_255, %add3A_282 : vector<16xi32>
      tpu.vector_store_idx %arg11[%add3A_253, %add3A_283], %gather3A_280 : memref<128x8xf32, #tpu.memory_space<vmem>>[vector<16xi32>, vector<16xi32>], vector<16xf32>,
      %mul3A_284 = arith.constant 128 : i32
      %mul3A_285 = arith.muli %scan3A_8, %mul3A_284 : i32
      %add3A_286 = arith.constant 64 : i32
      %add3A_287 = arith.addi %mul3A_285, %add3A_286 : i32
      %get3A_288 = arith.index_cast %add3A_287 : i32 to index
      %get3A_289 = tpu.vector_load %arg7[%get3A_288] {strides = array<i32>} : memref<6400xi32, #tpu.memory_space<vmem>>, vector<16xi32>,
      %and3A_290 = arith.constant 1 : i32
      %and3A_291 = vector.broadcast %and3A_290 : i32 to vector<16xi32>
      %and3A_292 = arith.andi %get3A_289, %and3A_291 : vector<16xi32>
      %mul3A_293 = arith.constant 4 : i32
      %mul3A_294 = vector.broadcast %mul3A_293 : i32 to vector<16xi32>
      %mul3A_295 = arith.muli %and3A_292, %mul3A_294 : vector<16xi32>
      %iota3A_296 = tpu.iota {dimensions = array<i32: 0>} : vector<16xi32>
      %add3A_297 = arith.constant 64 : i32
      %add3A_298 = vector.broadcast %add3A_297 : i32 to vector<16xi32>
      %add3A_299 = arith.addi %iota3A_296, %add3A_298 : vector<16xi32>
      %broadcast_in_dim3A_300 = arith.constant 0 : i32
      %broadcast_in_dim3A_301 = vector.broadcast %broadcast_in_dim3A_300 : i32 to vector<16xi32>
      %add3A_302 = arith.constant 0 : i32
      %add3A_303 = vector.broadcast %add3A_302 : i32 to vector<16xi32>
      %add3A_304 = arith.addi %mul3A_295, %add3A_303 : vector<16xi32>
      %gather3A_305 = tpu.vector_load_idx %arg10[%add3A_299, %add3A_304] : memref<128x8xf32, #tpu.memory_space<vmem>>[vector<16xi32>, vector<16xi32>], vector<16xf32>,
      %add3A_306 = arith.constant 0 : i32
      %add3A_307 = vector.broadcast %add3A_306 : i32 to vector<16xi32>
      %add3A_308 = arith.addi %broadcast_in_dim3A_301, %add3A_307 : vector<16xi32>
      tpu.vector_store_idx %arg11[%add3A_299, %add3A_308], %gather3A_305 : memref<128x8xf32, #tpu.memory_space<vmem>>[vector<16xi32>, vector<16xi32>], vector<16xf32>,
      %add3A_309 = arith.constant 1 : i32
      %add3A_310 = vector.broadcast %add3A_309 : i32 to vector<16xi32>
      %add3A_311 = arith.addi %mul3A_295, %add3A_310 : vector<16xi32>
      %gather3A_312 = tpu.vector_load_idx %arg10[%add3A_299, %add3A_311] : memref<128x8xf32, #tpu.memory_space<vmem>>[vector<16xi32>, vector<16xi32>], vector<16xf32>,
      %add3A_313 = arith.constant 1 : i32
      %add3A_314 = vector.broadcast %add3A_313 : i32 to vector<16xi32>
      %add3A_315 = arith.addi %broadcast_in_dim3A_301, %add3A_314 : vector<16xi32>
      tpu.vector_store_idx %arg11[%add3A_299, %add3A_315], %gather3A_312 : memref<128x8xf32, #tpu.memory_space<vmem>>[vector<16xi32>, vector<16xi32>], vector<16xf32>,
      %add3A_316 = arith.constant 2 : i32
      %add3A_317 = vector.broadcast %add3A_316 : i32 to vector<16xi32>
      %add3A_318 = arith.addi %mul3A_295, %add3A_317 : vector<16xi32>
      %gather3A_319 = tpu.vector_load_idx %arg10[%add3A_299, %add3A_318] : memref<128x8xf32, #tpu.memory_space<vmem>>[vector<16xi32>, vector<16xi32>], vector<16xf32>,
      %add3A_320 = arith.constant 2 : i32
      %add3A_321 = vector.broadcast %add3A_320 : i32 to vector<16xi32>
      %add3A_322 = arith.addi %broadcast_in_dim3A_301, %add3A_321 : vector<16xi32>
      tpu.vector_store_idx %arg11[%add3A_299, %add3A_322], %gather3A_319 : memref<128x8xf32, #tpu.memory_space<vmem>>[vector<16xi32>, vector<16xi32>], vector<16xf32>,
      %add3A_323 = arith.constant 3 : i32
      %add3A_324 = vector.broadcast %add3A_323 : i32 to vector<16xi32>
      %add3A_325 = arith.addi %mul3A_295, %add3A_324 : vector<16xi32>
      %gather3A_326 = tpu.vector_load_idx %arg10[%add3A_299, %add3A_325] : memref<128x8xf32, #tpu.memory_space<vmem>>[vector<16xi32>, vector<16xi32>], vector<16xf32>,
      %add3A_327 = arith.constant 3 : i32
      %add3A_328 = vector.broadcast %add3A_327 : i32 to vector<16xi32>
      %add3A_329 = arith.addi %broadcast_in_dim3A_301, %add3A_328 : vector<16xi32>
      tpu.vector_store_idx %arg11[%add3A_299, %add3A_329], %gather3A_326 : memref<128x8xf32, #tpu.memory_space<vmem>>[vector<16xi32>, vector<16xi32>], vector<16xf32>,
      %mul3A_330 = arith.constant 128 : i32
      %mul3A_331 = arith.muli %scan3A_8, %mul3A_330 : i32
      %add3A_332 = arith.constant 80 : i32
      %add3A_333 = arith.addi %mul3A_331, %add3A_332 : i32
      %get3A_334 = arith.index_cast %add3A_333 : i32 to index
      %get3A_335 = tpu.vector_load %arg7[%get3A_334] {strides = array<i32>} : memref<6400xi32, #tpu.memory_space<vmem>>, vector<16xi32>,
      %and3A_336 = arith.constant 1 : i32
      %and3A_337 = vector.broadcast %and3A_336 : i32 to vector<16xi32>
      %and3A_338 = arith.andi %get3A_335, %and3A_337 : vector<16xi32>
      %mul3A_339 = arith.constant 4 : i32
      %mul3A_340 = vector.broadcast %mul3A_339 : i32 to vector<16xi32>
      %mul3A_341 = arith.muli %and3A_338, %mul3A_340 : vector<16xi32>
      %iota3A_342 = tpu.iota {dimensions = array<i32: 0>} : vector<16xi32>
      %add3A_343 = arith.constant 80 : i32
      %add3A_344 = vector.broadcast %add3A_343 : i32 to vector<16xi32>
      %add3A_345 = arith.addi %iota3A_342, %add3A_344 : vector<16xi32>
      %broadcast_in_dim3A_346 = arith.constant 0 : i32
      %broadcast_in_dim3A_347 = vector.broadcast %broadcast_in_dim3A_346 : i32 to vector<16xi32>
      %add3A_348 = arith.constant 0 : i32
      %add3A_349 = vector.broadcast %add3A_348 : i32 to vector<16xi32>
      %add3A_350 = arith.addi %mul3A_341, %add3A_349 : vector<16xi32>
      %gather3A_351 = tpu.vector_load_idx %arg10[%add3A_345, %add3A_350] : memref<128x8xf32, #tpu.memory_space<vmem>>[vector<16xi32>, vector<16xi32>], vector<16xf32>,
      %add3A_352 = arith.constant 0 : i32
      %add3A_353 = vector.broadcast %add3A_352 : i32 to vector<16xi32>
      %add3A_354 = arith.addi %broadcast_in_dim3A_347, %add3A_353 : vector<16xi32>
      tpu.vector_store_idx %arg11[%add3A_345, %add3A_354], %gather3A_351 : memref<128x8xf32, #tpu.memory_space<vmem>>[vector<16xi32>, vector<16xi32>], vector<16xf32>,
      %add3A_355 = arith.constant 1 : i32
      %add3A_356 = vector.broadcast %add3A_355 : i32 to vector<16xi32>
      %add3A_357 = arith.addi %mul3A_341, %add3A_356 : vector<16xi32>
      %gather3A_358 = tpu.vector_load_idx %arg10[%add3A_345, %add3A_357] : memref<128x8xf32, #tpu.memory_space<vmem>>[vector<16xi32>, vector<16xi32>], vector<16xf32>,
      %add3A_359 = arith.constant 1 : i32
      %add3A_360 = vector.broadcast %add3A_359 : i32 to vector<16xi32>
      %add3A_361 = arith.addi %broadcast_in_dim3A_347, %add3A_360 : vector<16xi32>
      tpu.vector_store_idx %arg11[%add3A_345, %add3A_361], %gather3A_358 : memref<128x8xf32, #tpu.memory_space<vmem>>[vector<16xi32>, vector<16xi32>], vector<16xf32>,
      %add3A_362 = arith.constant 2 : i32
      %add3A_363 = vector.broadcast %add3A_362 : i32 to vector<16xi32>
      %add3A_364 = arith.addi %mul3A_341, %add3A_363 : vector<16xi32>
      %gather3A_365 = tpu.vector_load_idx %arg10[%add3A_345, %add3A_364] : memref<128x8xf32, #tpu.memory_space<vmem>>[vector<16xi32>, vector<16xi32>], vector<16xf32>,
      %add3A_366 = arith.constant 2 : i32
      %add3A_367 = vector.broadcast %add3A_366 : i32 to vector<16xi32>
      %add3A_368 = arith.addi %broadcast_in_dim3A_347, %add3A_367 : vector<16xi32>
      tpu.vector_store_idx %arg11[%add3A_345, %add3A_368], %gather3A_365 : memref<128x8xf32, #tpu.memory_space<vmem>>[vector<16xi32>, vector<16xi32>], vector<16xf32>,
      %add3A_369 = arith.constant 3 : i32
      %add3A_370 = vector.broadcast %add3A_369 : i32 to vector<16xi32>
      %add3A_371 = arith.addi %mul3A_341, %add3A_370 : vector<16xi32>
      %gather3A_372 = tpu.vector_load_idx %arg10[%add3A_345, %add3A_371] : memref<128x8xf32, #tpu.memory_space<vmem>>[vector<16xi32>, vector<16xi32>], vector<16xf32>,
      %add3A_373 = arith.constant 3 : i32
      %add3A_374 = vector.broadcast %add3A_373 : i32 to vector<16xi32>
      %add3A_375 = arith.addi %broadcast_in_dim3A_347, %add3A_374 : vector<16xi32>
      tpu.vector_store_idx %arg11[%add3A_345, %add3A_375], %gather3A_372 : memref<128x8xf32, #tpu.memory_space<vmem>>[vector<16xi32>, vector<16xi32>], vector<16xf32>,
      %mul3A_376 = arith.constant 128 : i32
      %mul3A_377 = arith.muli %scan3A_8, %mul3A_376 : i32
      %add3A_378 = arith.constant 96 : i32
      %add3A_379 = arith.addi %mul3A_377, %add3A_378 : i32
      %get3A_380 = arith.index_cast %add3A_379 : i32 to index
      %get3A_381 = tpu.vector_load %arg7[%get3A_380] {strides = array<i32>} : memref<6400xi32, #tpu.memory_space<vmem>>, vector<16xi32>,
      %and3A_382 = arith.constant 1 : i32
      %and3A_383 = vector.broadcast %and3A_382 : i32 to vector<16xi32>
      %and3A_384 = arith.andi %get3A_381, %and3A_383 : vector<16xi32>
      %mul3A_385 = arith.constant 4 : i32
      %mul3A_386 = vector.broadcast %mul3A_385 : i32 to vector<16xi32>
      %mul3A_387 = arith.muli %and3A_384, %mul3A_386 : vector<16xi32>
      %iota3A_388 = tpu.iota {dimensions = array<i32: 0>} : vector<16xi32>
      %add3A_389 = arith.constant 96 : i32
      %add3A_390 = vector.broadcast %add3A_389 : i32 to vector<16xi32>
      %add3A_391 = arith.addi %iota3A_388, %add3A_390 : vector<16xi32>
      %broadcast_in_dim3A_392 = arith.constant 0 : i32
      %broadcast_in_dim3A_393 = vector.broadcast %broadcast_in_dim3A_392 : i32 to vector<16xi32>
      %add3A_394 = arith.constant 0 : i32
      %add3A_395 = vector.broadcast %add3A_394 : i32 to vector<16xi32>
      %add3A_396 = arith.addi %mul3A_387, %add3A_395 : vector<16xi32>
      %gather3A_397 = tpu.vector_load_idx %arg10[%add3A_391, %add3A_396] : memref<128x8xf32, #tpu.memory_space<vmem>>[vector<16xi32>, vector<16xi32>], vector<16xf32>,
      %add3A_398 = arith.constant 0 : i32
      %add3A_399 = vector.broadcast %add3A_398 : i32 to vector<16xi32>
      %add3A_400 = arith.addi %broadcast_in_dim3A_393, %add3A_399 : vector<16xi32>
      tpu.vector_store_idx %arg11[%add3A_391, %add3A_400], %gather3A_397 : memref<128x8xf32, #tpu.memory_space<vmem>>[vector<16xi32>, vector<16xi32>], vector<16xf32>,
      %add3A_401 = arith.constant 1 : i32
      %add3A_402 = vector.broadcast %add3A_401 : i32 to vector<16xi32>
      %add3A_403 = arith.addi %mul3A_387, %add3A_402 : vector<16xi32>
      %gather3A_404 = tpu.vector_load_idx %arg10[%add3A_391, %add3A_403] : memref<128x8xf32, #tpu.memory_space<vmem>>[vector<16xi32>, vector<16xi32>], vector<16xf32>,
      %add3A_405 = arith.constant 1 : i32
      %add3A_406 = vector.broadcast %add3A_405 : i32 to vector<16xi32>
      %add3A_407 = arith.addi %broadcast_in_dim3A_393, %add3A_406 : vector<16xi32>
      tpu.vector_store_idx %arg11[%add3A_391, %add3A_407], %gather3A_404 : memref<128x8xf32, #tpu.memory_space<vmem>>[vector<16xi32>, vector<16xi32>], vector<16xf32>,
      %add3A_408 = arith.constant 2 : i32
      %add3A_409 = vector.broadcast %add3A_408 : i32 to vector<16xi32>
      %add3A_410 = arith.addi %mul3A_387, %add3A_409 : vector<16xi32>
      %gather3A_411 = tpu.vector_load_idx %arg10[%add3A_391, %add3A_410] : memref<128x8xf32, #tpu.memory_space<vmem>>[vector<16xi32>, vector<16xi32>], vector<16xf32>,
      %add3A_412 = arith.constant 2 : i32
      %add3A_413 = vector.broadcast %add3A_412 : i32 to vector<16xi32>
      %add3A_414 = arith.addi %broadcast_in_dim3A_393, %add3A_413 : vector<16xi32>
      tpu.vector_store_idx %arg11[%add3A_391, %add3A_414], %gather3A_411 : memref<128x8xf32, #tpu.memory_space<vmem>>[vector<16xi32>, vector<16xi32>], vector<16xf32>,
      %add3A_415 = arith.constant 3 : i32
      %add3A_416 = vector.broadcast %add3A_415 : i32 to vector<16xi32>
      %add3A_417 = arith.addi %mul3A_387, %add3A_416 : vector<16xi32>
      %gather3A_418 = tpu.vector_load_idx %arg10[%add3A_391, %add3A_417] : memref<128x8xf32, #tpu.memory_space<vmem>>[vector<16xi32>, vector<16xi32>], vector<16xf32>,
      %add3A_419 = arith.constant 3 : i32
      %add3A_420 = vector.broadcast %add3A_419 : i32 to vector<16xi32>
      %add3A_421 = arith.addi %broadcast_in_dim3A_393, %add3A_420 : vector<16xi32>
      tpu.vector_store_idx %arg11[%add3A_391, %add3A_421], %gather3A_418 : memref<128x8xf32, #tpu.memory_space<vmem>>[vector<16xi32>, vector<16xi32>], vector<16xf32>,
      %mul3A_422 = arith.constant 128 : i32
      %mul3A_423 = arith.muli %scan3A_8, %mul3A_422 : i32
      %add3A_424 = arith.constant 112 : i32
      %add3A_425 = arith.addi %mul3A_423, %add3A_424 : i32
      %get3A_426 = arith.index_cast %add3A_425 : i32 to index
      %get3A_427 = tpu.vector_load %arg7[%get3A_426] {strides = array<i32>} : memref<6400xi32, #tpu.memory_space<vmem>>, vector<16xi32>,
      %and3A_428 = arith.constant 1 : i32
      %and3A_429 = vector.broadcast %and3A_428 : i32 to vector<16xi32>
      %and3A_430 = arith.andi %get3A_427, %and3A_429 : vector<16xi32>
      %mul3A_431 = arith.constant 4 : i32
      %mul3A_432 = vector.broadcast %mul3A_431 : i32 to vector<16xi32>
      %mul3A_433 = arith.muli %and3A_430, %mul3A_432 : vector<16xi32>
      %iota3A_434 = tpu.iota {dimensions = array<i32: 0>} : vector<16xi32>
      %add3A_435 = arith.constant 112 : i32
      %add3A_436 = vector.broadcast %add3A_435 : i32 to vector<16xi32>
      %add3A_437 = arith.addi %iota3A_434, %add3A_436 : vector<16xi32>
      %broadcast_in_dim3A_438 = arith.constant 0 : i32
      %broadcast_in_dim3A_439 = vector.broadcast %broadcast_in_dim3A_438 : i32 to vector<16xi32>
      %add3A_440 = arith.constant 0 : i32
      %add3A_441 = vector.broadcast %add3A_440 : i32 to vector<16xi32>
      %add3A_442 = arith.addi %mul3A_433, %add3A_441 : vector<16xi32>
      %gather3A_443 = tpu.vector_load_idx %arg10[%add3A_437, %add3A_442] : memref<128x8xf32, #tpu.memory_space<vmem>>[vector<16xi32>, vector<16xi32>], vector<16xf32>,
      %add3A_444 = arith.constant 0 : i32
      %add3A_445 = vector.broadcast %add3A_444 : i32 to vector<16xi32>
      %add3A_446 = arith.addi %broadcast_in_dim3A_439, %add3A_445 : vector<16xi32>
      tpu.vector_store_idx %arg11[%add3A_437, %add3A_446], %gather3A_443 : memref<128x8xf32, #tpu.memory_space<vmem>>[vector<16xi32>, vector<16xi32>], vector<16xf32>,
      %add3A_447 = arith.constant 1 : i32
      %add3A_448 = vector.broadcast %add3A_447 : i32 to vector<16xi32>
      %add3A_449 = arith.addi %mul3A_433, %add3A_448 : vector<16xi32>
      %gather3A_450 = tpu.vector_load_idx %arg10[%add3A_437, %add3A_449] : memref<128x8xf32, #tpu.memory_space<vmem>>[vector<16xi32>, vector<16xi32>], vector<16xf32>,
      %add3A_451 = arith.constant 1 : i32
      %add3A_452 = vector.broadcast %add3A_451 : i32 to vector<16xi32>
      %add3A_453 = arith.addi %broadcast_in_dim3A_439, %add3A_452 : vector<16xi32>
      tpu.vector_store_idx %arg11[%add3A_437, %add3A_453], %gather3A_450 : memref<128x8xf32, #tpu.memory_space<vmem>>[vector<16xi32>, vector<16xi32>], vector<16xf32>,
      %add3A_454 = arith.constant 2 : i32
      %add3A_455 = vector.broadcast %add3A_454 : i32 to vector<16xi32>
      %add3A_456 = arith.addi %mul3A_433, %add3A_455 : vector<16xi32>
      %gather3A_457 = tpu.vector_load_idx %arg10[%add3A_437, %add3A_456] : memref<128x8xf32, #tpu.memory_space<vmem>>[vector<16xi32>, vector<16xi32>], vector<16xf32>,
      %add3A_458 = arith.constant 2 : i32
      %add3A_459 = vector.broadcast %add3A_458 : i32 to vector<16xi32>
      %add3A_460 = arith.addi %broadcast_in_dim3A_439, %add3A_459 : vector<16xi32>
      tpu.vector_store_idx %arg11[%add3A_437, %add3A_460], %gather3A_457 : memref<128x8xf32, #tpu.memory_space<vmem>>[vector<16xi32>, vector<16xi32>], vector<16xf32>,
      %add3A_461 = arith.constant 3 : i32
      %add3A_462 = vector.broadcast %add3A_461 : i32 to vector<16xi32>
      %add3A_463 = arith.addi %mul3A_433, %add3A_462 : vector<16xi32>
      %gather3A_464 = tpu.vector_load_idx %arg10[%add3A_437, %add3A_463] : memref<128x8xf32, #tpu.memory_space<vmem>>[vector<16xi32>, vector<16xi32>], vector<16xf32>,
      %add3A_465 = arith.constant 3 : i32
      %add3A_466 = vector.broadcast %add3A_465 : i32 to vector<16xi32>
      %add3A_467 = arith.addi %broadcast_in_dim3A_439, %add3A_466 : vector<16xi32>
      tpu.vector_store_idx %arg11[%add3A_437, %add3A_467], %gather3A_464 : memref<128x8xf32, #tpu.memory_space<vmem>>[vector<16xi32>, vector<16xi32>], vector<16xf32>,
      %dma_wait3A_468 = tpu.memref_slice %arg7[%mul3A_10] : memref<6400xi32, #tpu.memory_space<vmem>> -> memref<128xi32, #tpu.memory_space<vmem>>
      %dma_wait3A_469 = arith.constant 0 : i32
      %dma_wait3A_470 = arith.constant 0 : i32
      %dma_wait3A_471 = tpu.memref_slice %arg2[%dma_wait3A_469, %dma_wait3A_470] : memref<1000000x64xi8, #tpu.memory_space<hbm>> -> memref<1000000x64xi8, #tpu.memory_space<hbm>>
      tpu.wait_indirect_dma semaphore(%arg12 : memref<!tpu.dma_semaphore, #tpu.memory_space<semaphore_mem>>) src(%dma_wait3A_471 : memref<1000000x64xi8, #tpu.memory_space<hbm>>) dst(%arg9 : memref<128x64xi8, #tpu.memory_space<vmem>>)
      %mul3A_472 = arith.constant 128 : i32
      %mul3A_473 = arith.muli %scan3A_8, %mul3A_472 : i32
      %add3A_474 = arith.addi %mul3A_2, %mul3A_473 : i32
      "tpu.region"() ({
        %run_scoped3A = tpu.sem_alloc : memref<!tpu.dma_semaphore, #tpu.memory_space<semaphore_mem>>
        %dma_start3A_475 = arith.constant 0 : i32
        %dma_start3A_476 = tpu.memref_slice %arg5[%add3A_474, %dma_start3A_475] : memref<204800x64xi8, #tpu.memory_space<hbm>> -> memref<128x64xi8, #tpu.memory_space<hbm>>
        %dma_start3A_477 = arith.constant 0 : i32
        %dma_start3A_478 = tpu.memref_slice %arg5[%add3A_474, %dma_start3A_477] : memref<204800x64xi8, #tpu.memory_space<hbm>> -> memref<128x64xi8, #tpu.memory_space<hbm>>
        tpu.enqueue_dma source(%arg9 : memref<128x64xi8, #tpu.memory_space<vmem>>) target(%dma_start3A_478 : memref<128x64xi8, #tpu.memory_space<hbm>>) target_semaphore(%run_scoped3A : memref<!tpu.dma_semaphore, #tpu.memory_space<semaphore_mem>>)
        %dma_wait3A_479 = arith.constant 0 : i32
        %dma_wait3A_480 = tpu.memref_slice %arg5[%add3A_474, %dma_wait3A_479] : memref<204800x64xi8, #tpu.memory_space<hbm>> -> memref<128x64xi8, #tpu.memory_space<hbm>>
        %dma_wait3A_481 = arith.constant 0 : i32
        %dma_wait3A_482 = tpu.memref_slice %arg5[%add3A_474, %dma_wait3A_481] : memref<204800x64xi8, #tpu.memory_space<hbm>> -> memref<128x64xi8, #tpu.memory_space<hbm>>
        tpu.wait_dma2 semaphore(%run_scoped3A : memref<!tpu.dma_semaphore, #tpu.memory_space<semaphore_mem>>) src(%arg9 : memref<128x64xi8, #tpu.memory_space<vmem>>) dst(%dma_wait3A_482 : memref<128x64xi8, #tpu.memory_space<hbm>>)
        tpu.yield
      }) : () -> ()
      "tpu.region"() ({
        %run_scoped3A = tpu.sem_alloc : memref<!tpu.dma_semaphore, #tpu.memory_space<semaphore_mem>>
        %dma_start3A_475 = arith.constant 0 : i32
        %dma_start3A_476 = tpu.memref_slice %arg6[%add3A_474, %dma_start3A_475] : memref<204800x8xf32, #tpu.memory_space<hbm>> -> memref<128x8xf32, #tpu.memory_space<hbm>>
        %dma_start3A_477 = arith.constant 0 : i32
        %dma_start3A_478 = tpu.memref_slice %arg6[%add3A_474, %dma_start3A_477] : memref<204800x8xf32, #tpu.memory_space<hbm>> -> memref<128x8xf32, #tpu.memory_space<hbm>>
        tpu.enqueue_dma source(%arg11 : memref<128x8xf32, #tpu.memory_space<vmem>>) target(%dma_start3A_478 : memref<128x8xf32, #tpu.memory_space<hbm>>) target_semaphore(%run_scoped3A : memref<!tpu.dma_semaphore, #tpu.memory_space<semaphore_mem>>)
        %dma_wait3A_479 = arith.constant 0 : i32
        %dma_wait3A_480 = tpu.memref_slice %arg6[%add3A_474, %dma_wait3A_479] : memref<204800x8xf32, #tpu.memory_space<hbm>> -> memref<128x8xf32, #tpu.memory_space<hbm>>
        %dma_wait3A_481 = arith.constant 0 : i32
        %dma_wait3A_482 = tpu.memref_slice %arg6[%add3A_474, %dma_wait3A_481] : memref<204800x8xf32, #tpu.memory_space<hbm>> -> memref<128x8xf32, #tpu.memory_space<hbm>>
        tpu.wait_dma2 semaphore(%run_scoped3A : memref<!tpu.dma_semaphore, #tpu.memory_space<semaphore_mem>>) src(%arg11 : memref<128x8xf32, #tpu.memory_space<vmem>>) dst(%dma_wait3A_482 : memref<128x8xf32, #tpu.memory_space<hbm>>)
        tpu.yield
      }) : () -> ()
    }
    %scan3A_7 = arith.constant 50 : i32
    return
  }
}

module attributes {stable_mosaic.version = 14 : i64} {
  func.func @body(%arg0: i32, %arg1: memref<64x8192xi8, #tpu.memory_space<vmem>>, %arg2: memref<8192x64xi8, #tpu.memory_space<vmem>>) attributes {dimension_semantics = [#tpu.dimension_semantics<arbitrary>], iteration_bounds = array<i64: 123>, scalar_prefetch = 0 : i64, scratch_operands = 0 : i64, tpu.core_type = #tpu.core_type<tc>, window_params = [{transform_indices = @transform_0, window_bounds = array<i64: 64, 8192>}, {transform_indices = @transform_1, window_bounds = array<i64: 8192, 64>}]} {
    %get3A = arith.constant 0 : index
    %get3A_0 = arith.constant 0 : index
    %get3A_1 = vector.load %arg1[%get3A, %get3A_0] : memref<64x8192xi8, #tpu.memory_space<vmem>>, vector<64x8192xi8>
    %convert_element_type3A = arith.extsi %get3A_1 : vector<64x8192xi8> to vector<64x8192xi32>
    %transpose3A = tpu.transpose %convert_element_type3A, [1, 0] : vector<64x8192xi32> -> vector<8192x64xi32>
    %convert_element_type3A_2 = arith.trunci %transpose3A : vector<8192x64xi32> to vector<8192x64xi8>
    %swap3A = arith.constant 0 : index
    %swap3A_3 = arith.constant 0 : index
    %swap3A_4 = vector.load %arg2[%swap3A, %swap3A_3] : memref<8192x64xi8, #tpu.memory_space<vmem>>, vector<8192x64xi8>
    tpu.vector_store %arg2[%swap3A, %swap3A_3], %convert_element_type3A_2 {strides = array<i32>} : memref<8192x64xi8, #tpu.memory_space<vmem>>, vector<8192x64xi8>,
    return
  }
  func.func @transform_0(%arg0: i32) -> (i32, i32) {
    %c0_i32 = arith.constant 0 : i32
    %c0_i32_0 = arith.constant 0 : i32
    return %c0_i32, %arg0 : i32, i32
  }
  func.func @transform_1(%arg0: i32) -> (i32, i32) {
    %c0_i32 = arith.constant 0 : i32
    %c0_i32_0 = arith.constant 0 : i32
    return %arg0, %c0_i32 : i32, i32
  }
}

module attributes {stable_mosaic.version = 14 : i64} {
  func.func @body(%arg0: i32, %arg1: memref<4096x64xi8, #tpu.memory_space<vmem>>, %arg2: memref<4096x8xf32, #tpu.memory_space<vmem>>, %arg3: memref<1x64x4096xf32, #tpu.memory_space<vmem>>) attributes {dimension_semantics = [#tpu.dimension_semantics<arbitrary>], iteration_bounds = array<i64: 50>, scalar_prefetch = 0 : i64, scratch_operands = 0 : i64, tpu.core_type = #tpu.core_type<tc>, window_params = [{transform_indices = @transform_0, window_bounds = array<i64: 4096, 64>}, {transform_indices = @transform_1, window_bounds = array<i64: 4096, 8>}, {transform_indices = @transform_2, window_bounds = array<i64: 1, 64, 4096>}]} {
    %get3A = arith.constant 0 : index
    %get3A_0 = arith.constant 0 : index
    %get3A_1 = vector.load %arg1[%get3A, %get3A_0] : memref<4096x64xi8, #tpu.memory_space<vmem>>, vector<4096x64xi8>
    %convert_element_type3A = arith.sitofp %get3A_1 : vector<4096x64xi8> to vector<4096x64xf32>
    %get3A_2 = arith.constant 0 : index
    %get3A_3 = arith.constant 0 : index
    %get3A_4 = vector.load %arg2[%get3A_2, %get3A_3] : memref<4096x8xf32, #tpu.memory_space<vmem>>, vector<4096x8xf32>
    %slice3A = vector.extract_strided_slice %get3A_4 {offsets = [0, 0], sizes = [4096, 1], strides = [1, 1]} : vector<4096x8xf32> to vector<4096x1xf32>
    %broadcast_in_dim3A = vector.shape_cast %slice3A : vector<4096x1xf32> to vector<4096x1xf32>
    %broadcast_in_dim3A_5 = vector.broadcast %broadcast_in_dim3A : vector<4096x1xf32> to vector<4096x32xf32>
    %slice3A_6 = vector.extract_strided_slice %get3A_4 {offsets = [0, 1], sizes = [4096, 1], strides = [1, 1]} : vector<4096x8xf32> to vector<4096x1xf32>
    %broadcast_in_dim3A_7 = vector.shape_cast %slice3A_6 : vector<4096x1xf32> to vector<4096x1xf32>
    %broadcast_in_dim3A_8 = vector.broadcast %broadcast_in_dim3A_7 : vector<4096x1xf32> to vector<4096x32xf32>
    %concatenate3A = tpu.concatenate %broadcast_in_dim3A_5, %broadcast_in_dim3A_8 in 1 : vector<4096x32xf32>, vector<4096x32xf32> -> vector<4096x64xf32>
    %slice3A_9 = vector.extract_strided_slice %get3A_4 {offsets = [0, 2], sizes = [4096, 1], strides = [1, 1]} : vector<4096x8xf32> to vector<4096x1xf32>
    %broadcast_in_dim3A_10 = vector.shape_cast %slice3A_9 : vector<4096x1xf32> to vector<4096x1xf32>
    %broadcast_in_dim3A_11 = vector.broadcast %broadcast_in_dim3A_10 : vector<4096x1xf32> to vector<4096x32xf32>
    %slice3A_12 = vector.extract_strided_slice %get3A_4 {offsets = [0, 3], sizes = [4096, 1], strides = [1, 1]} : vector<4096x8xf32> to vector<4096x1xf32>
    %broadcast_in_dim3A_13 = vector.shape_cast %slice3A_12 : vector<4096x1xf32> to vector<4096x1xf32>
    %broadcast_in_dim3A_14 = vector.broadcast %broadcast_in_dim3A_13 : vector<4096x1xf32> to vector<4096x32xf32>
    %concatenate3A_15 = tpu.concatenate %broadcast_in_dim3A_11, %broadcast_in_dim3A_14 in 1 : vector<4096x32xf32>, vector<4096x32xf32> -> vector<4096x64xf32>
    %sub3A = arith.subf %convert_element_type3A, %concatenate3A_15 : vector<4096x64xf32>
    %mul3A = arith.mulf %sub3A, %concatenate3A : vector<4096x64xf32>
    %transpose3A = tpu.transpose %mul3A, [1, 0] : vector<4096x64xf32> -> vector<64x4096xf32>
    %swap3A = arith.constant 0 : index
    %swap3A_16 = arith.constant 0 : index
    %swap3A_17 = arith.constant 0 : index
    %swap3A_18 = vector.load %arg3[%swap3A, %swap3A_16, %swap3A_17] : memref<1x64x4096xf32, #tpu.memory_space<vmem>>, vector<1x64x4096xf32>
    %swap3A_19 = vector.shape_cast %swap3A_18 : vector<1x64x4096xf32> to vector<64x4096xf32>
    %swap3A_20 = vector.shape_cast %transpose3A : vector<64x4096xf32> to vector<1x64x4096xf32>
    tpu.vector_store %arg3[%swap3A, %swap3A_16, %swap3A_17], %swap3A_20 {strides = array<i32>} : memref<1x64x4096xf32, #tpu.memory_space<vmem>>, vector<1x64x4096xf32>,
    return
  }
  func.func @transform_0(%arg0: i32) -> (i32, i32) {
    %c0_i32 = arith.constant 0 : i32
    %c0_i32_0 = arith.constant 0 : i32
    return %arg0, %c0_i32 : i32, i32
  }
  func.func @transform_1(%arg0: i32) -> (i32, i32) {
    %c0_i32 = arith.constant 0 : i32
    %c0_i32_0 = arith.constant 0 : i32
    return %arg0, %c0_i32 : i32, i32
  }
  func.func @transform_2(%arg0: i32) -> (i32, i32, i32) {
    %c0_i32 = arith.constant 0 : i32
    %c0_i32_0 = arith.constant 0 : i32
    %c0_i32_1 = arith.constant 0 : i32
    return %arg0, %c0_i32, %c0_i32_0 : i32, i32, i32
  }
}

</mosaic_0001>

<sc_bundles>
// kernel: kernel.5.cloned.1.call-start
scs
__scs_entry_jumppad:
0x0: {  	(pc) =	sbr.rel $0x88, $3  }
0x1: {  	(tag) =	ssettag $0x0;
	lr =	simm.s32 $0x1  }
0x2: {  	[smem:$0x3F9D] =	sst lr;
	_ =	strace $0xD0000000  }
0x3: {  	_ = 	snop  }
0x4: {  	_ = 	snop  }
0x5: {  	_ = 	snop  }
0x6: {  	_ = 	snop  }
0x7: {  	_ = 	snop  }
__scs_overlays_trampoline_lowered:
0x8: {  	[smem:$0x3FAC] =	sst s0  }
0x9: {  	[smem:$0x3FAD] =	sst s1  }
0xa: {  	[smem:$0x3FAE] =	sst s2  }
0xb: {  	[smem:$0x3FAF] =	sst s3  }
0xc: {  	[smem:$0x3FB0] =	sst s4  }
0xd: {  	[smem:$0x3FB1] =	sst s5  }
0xe: {  	[smem:$0x3FB2] =	sst s6  }
0xf: {  	[smem:$0x3FB3] =	sst s7  }
0x10: {  	[smem:$0x3FB4] =	sst s8  }
0x11: {  	[smem:$0x3FB5] =	sst s9;
	s0 =	simm.s32 @!p0 $0x0  }
0x12: {  	s1 =	sld [smem:$0x3F9B];
	s0 =	simm.s32 @p0 $0x1  }
0x13: {  	[smem:$0x3FB6] =	sst s0;
	s0 =	simm.s32 @!p1 $0x0  }
0x14: {  	s2 =	sld [smem:$0x3F9A];
	s0 =	simm.s32 @p1 $0x1  }
0x15: {  	[smem:$0x3FB7] =	sst s0;
	s0 =	simm.s32 @!p2 $0x0  }
0x16: {  	s3 =	sld [smem:$0x3FDB];
	s0 =	simm.s32 @p2 $0x1  }
0x17: {  	s4 =	simm.s32 $0x1BF5;
	[smem:$0x3FB9] =	sst s0  }
0x18: {  	s0 =	sld [smem:$0x3F9C];
	_ =	swait.ge [sflag:s4], $0x0  }
0x19: {  	s7 =	sld [smem:$0x3F9D]  }
0x1a: {  	s8 =	sadd.s32 $0xFFFFE003, lr  }
0x1b: {  	s9 =	sadd.s32 $0xFFFFFEF7, lr;
	s5 =	simm.s32 $0xFFFFFFFF;
	p2 =	slt.u32 s8, $0xFFFFF086  }
0x1c: {  	p1 =	slt.u32 s9, $0xF7A;
	s5 =	simm.s32 @!p2 $0x0  }
0x1d: {  	s5 =	simm.s32 @p1 $0x1;
	p0 =	seq.s32 s7, s2  }
0x1e: {  	s7 =	smul.u32 @!p0 $0xF7A, s2;
	p2 =	seq.s32 @!p0 s5, $0x0  }
0x1f: {  	s9 =	smul.u32 $0xF7A, s1;
	s8 =	simm.s32 @!p0 $0x1BF5;
	p2 =	por !p2, p0  }
0x20: {  	[sflag:s8] =	ssyncset.s32 @!p0 $0xFFFFF086;
	s6 =	sadd.s32 @!p0 s3, s7;
	s7 =	simm.s32 @!p0 $0x108  }
0x21: {  	s3 =	sadd.s32 s3, s9;
	s6 =	sadd.s32 @!p0 $0x88, s6;
	s7 =	simm.s32 @p2 $0x1082  }
0x22: {  	[simem:s7], [sflag:s8] =	dma.local @!p0 [hbm:s6], $0xF7A  }
0x23: {  	s9 =	sor.u32 $0xD0000000, s2;
	s6 =	simm.s32 $0x108;
	_ =	swait.ge @!p0 [sflag:s8], $0x0  }
0x24: {  	s3 =	sadd.s32 $0x88, s3;
	s6 =	simm.s32 @!p1 $0x1082;
	[sflag:s4] =	ssyncset.s32 $0xFFFFF086  }
0x25: {  	[simem:s6], [sflag:s4] =	dma.local [hbm:s3], $0xF7A  }
0x26: {  	[smem:$0x3F9D] =	sst s1;
	(tag) =	ssettag s2;
	_ =	strace s9  }
0x27: {  	s1 =	sld [smem:$0x3FAD]  }
0x28: {  	s2 =	sld [smem:$0x3FAE]  }
0x29: {  	s4 =	sld [smem:$0x3FB0]  }
0x2a: {  	p0 =	seq.s32 s5, $0x0;
	s5 =	sld [smem:$0x3FB1]  }
0x2b: {  	s6 =	sld [smem:$0x3FB2]  }
0x2c: {  	s7 =	sld [smem:$0x3FB3]  }
0x2d: {  	s3 =	simm.s32 $0x108;
	s8 =	sld [smem:$0x3FB4]  }
0x2e: {  	s3 =	simm.s32 @!p0 $0x1082;
	s9 =	sld [smem:$0x3FB5]  }
0x2f: {  	lr =	sadd.s32 s0, s3;
	s0 =	sld [smem:$0x3FAC]  }
0x30: {  	s3 =	sld [smem:$0x3FAF]  }
0x31: {  	[smem:$0x3FB8] =	sst s10  }
0x32: {  	s10 =	sld [smem:$0x3FB6];
	_ =	sdelay $0x3  }
0x33: {  	p0 =	seq.s32 s10, $0x1;
	s10 =	sld [smem:$0x3FB8];
	_ =	sdelay $0x3  }
0x34: {  	[smem:$0x3FB8] =	sst s10  }
0x35: {  	s10 =	sld [smem:$0x3FB7];
	_ =	sdelay $0x3  }
0x36: {  	p1 =	seq.s32 s10, $0x1;
	s10 =	sld [smem:$0x3FB8];
	_ =	sdelay $0x3  }
0x37: {  	[smem:$0x3FB8] =	sst s10  }
0x38: {  	s10 =	sld [smem:$0x3FB9]  }
0x39: {  	_ = 	snop;
	(pc) =	sbr.ind lr, $3  }
0x3a: {  	_ = 	snop  }
0x3b: {  	_ = 	snop  }
0x3c: {  	p2 =	seq.s32 s10, $0x1;
	s10 =	sld [smem:$0x3FB8]  }
0x3d: {  	_ =	shalt  }
0x3e: {  	_ =	shalt  }
0x3f: {  	_ =	shalt  }
0x40: {  	_ =	shalt  }
0x41: {  	_ =	shalt  }
0x42: {  	_ =	shalt  }
0x43: {  	_ =	shalt  }
0x44: {  	_ =	shalt  }
0x45: {  	_ =	shalt  }
0x46: {  	_ =	shalt  }
0x47: {  	_ =	shalt  }
0x48: {  	_ =	shalt  }
0x49: {  	_ =	shalt  }
0x4a: {  	_ =	shalt  }
0x4b: {  	_ =	shalt  }
0x4c: {  	_ =	shalt  }
0x4d: {  	_ =	shalt  }
0x4e: {  	_ =	shalt  }
0x4f: {  	_ =	shalt  }
0x50: {  	_ =	shalt  }
0x51: {  	_ =	shalt  }
0x52: {  	_ =	shalt  }
0x53: {  	_ =	shalt  }
0x54: {  	_ =	shalt  }
0x55: {  	_ =	shalt  }
0x56: {  	_ =	shalt  }
0x57: {  	_ =	shalt  }
0x58: {  	_ =	shalt  }
0x59: {  	_ =	shalt  }
0x5a: {  	_ =	shalt  }
0x5b: {  	_ =	shalt  }
0x5c: {  	_ =	shalt  }
0x5d: {  	_ =	shalt  }
0x5e: {  	_ =	shalt  }
0x5f: {  	_ =	shalt  }
0x60: {  	_ =	shalt  }
0x61: {  	_ =	shalt  }
0x62: {  	_ =	shalt  }
0x63: {  	_ =	shalt  }
0x64: {  	_ =	shalt  }
0x65: {  	_ =	shalt  }
0x66: {  	_ =	shalt  }
0x67: {  	_ =	shalt  }
0x68: {  	_ =	shalt  }
0x69: {  	_ =	shalt  }
0x6a: {  	_ =	shalt  }
0x6b: {  	_ =	shalt  }
0x6c: {  	_ =	shalt  }
0x6d: {  	_ =	shalt  }
0x6e: {  	_ =	shalt  }
0x6f: {  	_ =	shalt  }
0x70: {  	_ =	shalt  }
0x71: {  	_ =	shalt  }
0x72: {  	_ =	shalt  }
0x73: {  	_ =	shalt  }
0x74: {  	_ =	shalt  }
0x75: {  	_ =	shalt  }
0x76: {  	_ =	shalt  }
0x77: {  	_ =	shalt  }
0x78: {  	_ =	shalt  }
0x79: {  	_ =	shalt  }
0x7a: {  	_ =	shalt  }
0x7b: {  	_ =	shalt  }
0x7c: {  	_ =	shalt  }
0x7d: {  	_ =	shalt  }
0x7e: {  	_ =	shalt  }
0x7f: {  	_ =	shalt  }
0x80: {  	_ =	shalt  }
0x81: {  	_ =	shalt  }
0x82: {  	_ =	shalt  }
0x83: {  	_ =	shalt  }
0x84: {  	_ =	shalt  }
0x85: {  	_ =	shalt  }
0x86: {  	_ =	shalt  }
0x87: {  	_ =	shalt  }
.Lfunc_end0:
.L_simem_size_0:
called_computation.1_lowered:
.L_overlay_start_0:
0x88: {  	s2 =	sld [smem:$0x3FD9]  }
0x89: {  	s3 =	sld [smem:$0x3FFE];
	_ =	sdelay $0x1  }
0x8a: {  	s1 =	srdreg.scid  }
0x8b: {  	s0 =	sand.u32 $0x1, s1  }
0x8c: {  	s17 =	sshll.u32 s0, $0xA;
	s2 =	sadd.s32 s3, s2  }
0x8d: {  	s2 =	sadd.s32 s2, s17  }
0x8e: {  	[smem:$0x3FC4] =	sst s2  }
0x8f: {  	_ = 	snop  }
0x90: {  	s2 =	sld [smem:$0x3FD0];
	(tm) =	ssettm $0x1  }
0x91: {  	s18 =	sld [smem:$0x3FFB];
	_ =	sdelay $0x3  }
0x92: {  	_ =	strace s18  }
0x93: {  	s3 =	sld [smem:$0x3FFC];
	_ =	sdelay $0x3  }
0x94: {  	_ =	strace s3  }
0x95: {  	s3 =	sld [smem:$0x3FFD];
	_ =	sdelay $0x3  }
0x96: {  	_ =	strace s3  }
0x97: {  	_ =	strace $0x8FFFFFFF  }
0x98: {  	s19 =	sld [smem:$0x3FDB];
	_ =	sdelay $0x1  }
0x99: {  	s4 =	simm.s32 $_scs_section_size  }
0x9a: {  	s5 =	simm.s32 $_size__tile_overlayer_lowered;
	s6 =	simm.s32 $_tile_overlayer_lowered  }
0x9b: {  	s22 =	simm.s32 $0x1BFF;
	s21 =	sshll.u32 s6, $0x1;
	s3 =	sadd.s32 s4, s19  }
0x9c: {  	s7 =	simm.s32 $0x0;
	s20 =	sshll.u32 s5, $0x1;
	s5 =	sadd.s32 s21, s3  }
0x9d: {  	[timem:s7], [sflag:s22] =	dma.local [hbm:s5], s20  }
0x9e: {  	_ =	swait.ge [sflag:s22], s20  }
0x9f: {  	s4 =	ssub.s32 $0x0, s20;
	[sflag:s22] =	ssyncset.done $0x0  }
0xa0: {  	[sflag:s22] =	ssyncadd.s32 s4;
	_ =	sdelay $0x1  }
0xa1: {  	s23 =	simm.s32 $0x1B8B  }
0xa2: {  	_ =	swait.ge [sflag:s23], $0x1  }
0xa3: {  	[sflag:s23] =	ssyncset.done $0x0  }
0xa4: {  	s25 =	simm.s32 $0x1B8E;
	s24 =	sld [smem:$0x3FFE];
	[sflag:s23] =	ssyncadd.s32 $0xFFFFFFFF  }
0xa5: {  	s26 =	simm.s32 $execute0_lowered;
	[smem:$0x3FD2] =	sst s25  }
0xa6: {  	s5 =	sshll.u32 s26, $0x1;
	_ =	strace $0x80000049;
	[dreg:$0x1] =	wrdreg $0xFFFFFFFF  }
0xa7: {  	s28 =	simm.s32 $_size_execute0_lowered;
	s3 =	sadd.s32 s3, s5;
	[dreg:$0x0] =	wrdreg $0x0  }
0xa8: {  	s5 =	sshll.u32 s28, $0x1;
	[dreg:$0x2] =	wrdreg s3  }
0xa9: {  	[dreg:$0x3] =	wrdreg s5  }
0xaa: {  	[dreg:$0x4] =	wrdreg $0xC0  }
0xab: {  	_ =	task [dreg:s7], $0x5FFFF  }
0xac: {  	[dreg:$0x1] =	wrdreg $0xFFFFFFFF  }
0xad: {  	[dreg:$0x0] =	wrdreg $0x60  }
0xae: {  	[dreg:$0x2] =	wrdreg s24  }
0xaf: {  	[dreg:$0x3] =	wrdreg s2  }
0xb0: {  	[dreg:$0x4] =	wrdreg $0x9  }
0xb1: {  	_ =	task.clear_ibuf [dreg:s7], $0x5FFFF;
	_ =	strace $0x90000049  }
0xb2: {  	s29 =	simm.s32 $0x9;
	_ =	strace $0x8000004B  }
0xb3: {  	_ =	swait.ge [sflag:s29], $0x1  }
0xb4: {  	[sflag:s29] =	ssyncadd.s32 $0xFFFFFFFF  }
0xb5: {  	_ =	strace $0x9000004B  }
0xb6: {  	_ =	sfence  }
0xb7: {  	s30 =	sld [smem:$0x0];
	_ =	sdelay $0x2  }
0xb8: {  	s31 =	sshll.u32 s1, $0xD;
	s1 =	sshrl.u32 s1, $0x2  }
0xb9: {  	s3 =	sand.u32 $0x4000, s31;
	s1 =	sadd.s32 s1, s30  }
0xba: {  	s0 =	sor.u32 s3, s0;
	s1 =	sshll.u32 s1, $0x11  }
0xbb: {  	s0 =	sor.u32 s1, s0  }
0xbc: {  	s0 =	sadd.s32 $0x8F2B, s0  }
0xbd: {  	[sflag:s0] =	ssyncadd.remote.s32 $0x1  }
0xbe: {  	_ =	sfence.sel $0xFFFF  }
0xbf: {  	[dreg:$0x0] =	wrdreg $0xFFFFFFFF;
	(pc) =	sbr.abs _section_cstart, $3  }
0xc0: {  	[dreg:$0x1] =	wrdreg $0xFFFFFFFF  }
0xc1: {  	_ =	task.clear_ibuf [dreg:s7], $0x2FFFF;
	_ =	strace $0x9FFFFFFF  }
0xc2: {  	(tm) =	ssettm $0x7FFFFFFF  }
0xc3: {  	_ =	shalt  }
tec
execute0_lowered:
.L_overlay_start_1:
0x0: {  	(tag) =	ssettag $0x1  }
0x1: {  	s5 =	rddreg [dreg:$0x0];
	v0 =	vlaneseq.u32  }
0x2: {  	s1 =	srdreg.scid;
	s0 =	stileid.u32;
	v0 =	vmul.u32 $0x8, v0  }
0x3: {  	s2 =	rddreg [dreg:$0x1];
	s3 =	simm.s32 $0x0;
	s13 =	simm.s32 $0x2180  }
0x4: {  	s14 =	simm.s32 $0x2;
	s15 =	simm.s32 $0x2580;
	s16 =	simm.s32 $0x1;
	v1 =	vor.u32 $0x1, v0  }
0x5: {  	s17 =	simm.s32 $0x0;
	s6 =	sand.u32 $0x1, s1;
	s8 =	smul.u32 $0x6400, s0;
	v2 =	vor.u32 $0x2, v0;
	v3 =	vor.u32 $0x3, v0;
	v4 =	vor.u32 $0x80, v0  }
0x6: {  	s4 =	sshll.u32 s0, $0x1;
	s1 =	rddreg [dreg:$0x2];
	s9 =	smul.u32 $0x3200, s0;
	v5 =	vor.u32 $0x81, v0;
	v6 =	vor.u32 $0x82, v0;
	v7 =	vor.u32 $0x83, v0  }
0x7: {  	[smem:$0x7FF] =	sst s3;
	s4 =	sor.u32 s6, s4;
	s11 =	smul.u32 $0x3200, s6;
	v8 =	vor.u32 $0x100, v0;
	v9 =	vor.u32 $0x101, v0;
	v10 =	vor.u32 $0x102, v0  }
0x8: {  	_ =	strace $0x8000004A;
	s10 =	ssub.s32 $0x2, s6;
	s6 =	smul.u32 $0x1900, s6;
	v11 =	vor.u32 $0x103, v0;
	v12 =	vor.u32 $0x180, v0;
	v13 =	vor.u32 $0x181, v0  }
0x9: {  	s7 =	smul.u32 $0x1900, s4;
	s4 =	sadd.s32 $0x1E9A00, s5;
	s12 =	sshrl.u32 s10, $0x1;
	v14 =	vor.u32 $0x182, v0;
	v15 =	vor.u32 $0x183, v0;
	v16 =	vor.u32 $0x200, v0  }
0xa: {  	s8 =	sadd.s32 s8, s5;
	s9 =	sadd.s32 s9, s5;
	v17 =	vor.u32 $0x201, v0;
	v18 =	vor.u32 $0x202, v0;
	v19 =	vor.u32 $0x203, v0;
	s10 =	ssub.s32 s10, s12  }
0xb: {  	v20 =	vor.u32 $0x280, v0;
	v21 =	vor.u32 $0x281, v0;
	v22 =	vor.u32 $0x282, v0;
	s30 =	sadd.s32 s11, s8;
	s31 =	sadd.s32 s6, s9;
	s9 =	simm.s32 $0x3  }
0xc: {  	v23 =	vor.u32 $0x283, v0;
	v24 =	vor.u32 $0x300, v0;
	v25 =	vor.u32 $0x301, v0;
	s11 =	simm.s32 $0x1980;
	s12 =	simm.s32 $0x1900;
	s7 =	sshrl.u32 s7, $0x3  }
0xd: {  	v26 =	vor.u32 $0x302, v0;
	v27 =	vor.u32 $0x303, v0;
	v28 =	vor.u32 $0x380, v0;
	s6 =	smax.u32 s10, $0x1;
	s8 =	sadd.s32 $0x1400, s31;
	s7 =	sadd.s32 s7, s5  }
0xe: {  	v29 =	vor.u32 $0x381, v0;
	v30 =	vor.u32 $0x382, v0;
	v31 =	vor.u32 $0x383, v0;
	s10 =	simm.s32 $0x80;
	s5 =	sadd.s32 $0x3D2000, s7;
	s7 =	sadd.s32 $0x33400, s30  }
.LBB2_1:
0xf: {  	[tilespmem:s3], [sflag:$0x3] =	stream.linear.gather [hbm4b:s5+s3], $0x1900, $0x38;
	[tilespmem:$0x2980] =	vst v63  }
0x10: {  	_ =	swait.ge [sflag:s9], $0x1900  }
0x11: {  	s18 =	simm.s32 $0x0;
	[sflag:s9] =	ssyncset.done $0x0  }
0x12: {  	s19 =	smov.u32 s7;
	s20 =	simm.s32 $0x0;
	[sflag:s9] =	ssyncadd.s32 $0xFFFFE700  }
.LBB2_2:
0x13: {  	[tilespmem:s11], [sflag:$0x1] =	stream.indirect.gather [hbm4b:s4+s10], $0x10, s18, s10, $0xb8;
	[tilespmem:$0x2980] =	vst v63  }
0x14: {  	v32 =	vld [tilespmem:s18+$0x0];
	_ =	sdelay $0x4  }
0x15: {  	v32 =	vshra.s32 v32, $0x1  }
0x16: {  	[tilespmem:$0x1900] =	vst v32  }
0x17: {  	v32 =	vld [tilespmem:s18+$0x10];
	_ =	sdelay $0x4  }
0x18: {  	v32 =	vshra.s32 v32, $0x1  }
0x19: {  	[tilespmem:$0x1910] =	vst v32  }
0x1a: {  	v32 =	vld [tilespmem:s18+$0x20];
	_ =	sdelay $0x4  }
0x1b: {  	v32 =	vshra.s32 v32, $0x1  }
0x1c: {  	[tilespmem:$0x1920] =	vst v32  }
0x1d: {  	v32 =	vld [tilespmem:s18+$0x30];
	_ =	sdelay $0x4  }
0x1e: {  	v32 =	vshra.s32 v32, $0x1  }
0x1f: {  	[tilespmem:$0x1930] =	vst v32  }
0x20: {  	v32 =	vld [tilespmem:s18+$0x40];
	_ =	sdelay $0x4  }
0x21: {  	v32 =	vshra.s32 v32, $0x1  }
0x22: {  	[tilespmem:$0x1940] =	vst v32  }
0x23: {  	v32 =	vld [tilespmem:s18+$0x50];
	_ =	sdelay $0x4  }
0x24: {  	v32 =	vshra.s32 v32, $0x1  }
0x25: {  	[tilespmem:$0x1950] =	vst v32  }
0x26: {  	v32 =	vld [tilespmem:s18+$0x60];
	_ =	sdelay $0x4  }
0x27: {  	v32 =	vshra.s32 v32, $0x1  }
0x28: {  	[tilespmem:$0x1960] =	vst v32  }
0x29: {  	v32 =	vld [tilespmem:s18+$0x70];
	_ =	sdelay $0x4  }
0x2a: {  	v32 =	vshra.s32 v32, $0x1  }
0x2b: {  	[tilespmem:$0x1970] =	vst v32  }
0x2c: {  	[tilespmem:s13], [sflag:$0x2] =	stream.indirect.gather [hbm4b:s2+s10], $0x8, s12, s10, $0xb8;
	[tilespmem:$0x2980] =	vst v63  }
0x2d: {  	_ =	swait.ge [sflag:s14], $0x400  }
0x2e: {  	[sflag:s14] =	ssyncset.done $0x0  }
0x2f: {  	[sflag:s14] =	ssyncadd.s32 $0xFFFFFC00  }
0x30: {  	v41 =	vld [tilespmem:s18+$0x0];
	_ =	sdelay $0x4  }
0x31: {  	v32 =	vshll.u32 v41, $0x2  }
0x32: {  	v32 =	vand.u32 $0x4, v32  }
0x33: {  	v33 =	vor.u32 v0, v32;
	_ =	sdelay $0x4  }
0x34: {  	v33 =	vld.idx.msk [tilespmem:v33+s13+$0x0], $0xffff  }
0x35: {  	v34 =	vor.u32 v1, v32;
	_ =	sdelay $0x3  }
0x36: {  	[tilespmem:v0+s15+$0x0] =	vst.idx.msk $0xffff, v33  }
0x37: {  	v33 =	vld.idx.msk [tilespmem:v34+s13+$0x0], $0xffff  }
0x38: {  	v42 =	vor.u32 v2, v32;
	_ =	sdelay $0x3  }
0x39: {  	[tilespmem:v1+s15+$0x0] =	vst.idx.msk $0xffff, v33  }
0x3a: {  	v33 =	vld.idx.msk [tilespmem:v42+s13+$0x0], $0xffff  }
0x3b: {  	v32 =	vor.u32 v3, v32;
	_ =	sdelay $0x3  }
0x3c: {  	[tilespmem:v2+s15+$0x0] =	vst.idx.msk $0xffff, v33  }
0x3d: {  	v32 =	vld.idx.msk [tilespmem:v32+s13+$0x0], $0xffff;
	_ =	sdelay $0x4  }
0x3e: {  	[tilespmem:v3+s15+$0x0] =	vst.idx.msk $0xffff, v32  }
0x3f: {  	v32 =	vld [tilespmem:s18+$0x10];
	_ =	sdelay $0x4  }
0x40: {  	v32 =	vshll.u32 v32, $0x2  }
0x41: {  	v32 =	vand.u32 $0x4, v32  }
0x42: {  	v43 =	vor.u32 v4, v32;
	_ =	sdelay $0x4  }
0x43: {  	v33 =	vld.idx.msk [tilespmem:v43+s13+$0x0], $0xffff  }
0x44: {  	v44 =	vor.u32 v5, v32;
	_ =	sdelay $0x3  }
0x45: {  	[tilespmem:v4+s15+$0x0] =	vst.idx.msk $0xffff, v33  }
0x46: {  	v33 =	vld.idx.msk [tilespmem:v44+s13+$0x0], $0xffff  }
0x47: {  	v45 =	vor.u32 v6, v32;
	_ =	sdelay $0x3  }
0x48: {  	[tilespmem:v5+s15+$0x0] =	vst.idx.msk $0xffff, v33  }
0x49: {  	v33 =	vld.idx.msk [tilespmem:v45+s13+$0x0], $0xffff  }
0x4a: {  	v32 =	vor.u32 v7, v32;
	_ =	sdelay $0x3  }
0x4b: {  	[tilespmem:v6+s15+$0x0] =	vst.idx.msk $0xffff, v33  }
0x4c: {  	v32 =	vld.idx.msk [tilespmem:v32+s13+$0x0], $0xffff;
	_ =	sdelay $0x4  }
0x4d: {  	[tilespmem:v7+s15+$0x0] =	vst.idx.msk $0xffff, v32  }
0x4e: {  	v32 =	vld [tilespmem:s18+$0x20];
	_ =	sdelay $0x4  }
0x4f: {  	v32 =	vshll.u32 v32, $0x2  }
0x50: {  	v32 =	vand.u32 $0x4, v32  }
0x51: {  	v46 =	vor.u32 v8, v32;
	_ =	sdelay $0x4  }
0x52: {  	v33 =	vld.idx.msk [tilespmem:v46+s13+$0x0], $0xffff  }
0x53: {  	v47 =	vor.u32 v9, v32;
	_ =	sdelay $0x3  }
0x54: {  	[tilespmem:v8+s15+$0x0] =	vst.idx.msk $0xffff, v33  }
0x55: {  	v33 =	vld.idx.msk [tilespmem:v47+s13+$0x0], $0xffff  }
0x56: {  	v48 =	vor.u32 v10, v32;
	_ =	sdelay $0x3  }
0x57: {  	[tilespmem:v9+s15+$0x0] =	vst.idx.msk $0xffff, v33  }
0x58: {  	v33 =	vld.idx.msk [tilespmem:v48+s13+$0x0], $0xffff  }
0x59: {  	v32 =	vor.u32 v11, v32;
	_ =	sdelay $0x3  }
0x5a: {  	[tilespmem:v10+s15+$0x0] =	vst.idx.msk $0xffff, v33  }
0x5b: {  	v32 =	vld.idx.msk [tilespmem:v32+s13+$0x0], $0xffff;
	_ =	sdelay $0x4  }
0x5c: {  	[tilespmem:v11+s15+$0x0] =	vst.idx.msk $0xffff, v32  }
0x5d: {  	v32 =	vld [tilespmem:s18+$0x30];
	_ =	sdelay $0x4  }
0x5e: {  	v32 =	vshll.u32 v32, $0x2  }
0x5f: {  	v32 =	vand.u32 $0x4, v32  }
0x60: {  	v49 =	vor.u32 v12, v32;
	_ =	sdelay $0x4  }
0x61: {  	v33 =	vld.idx.msk [tilespmem:v49+s13+$0x0], $0xffff  }
0x62: {  	v50 =	vor.u32 v13, v32;
	_ =	sdelay $0x3  }
0x63: {  	[tilespmem:v12+s15+$0x0] =	vst.idx.msk $0xffff, v33  }
0x64: {  	v33 =	vld.idx.msk [tilespmem:v50+s13+$0x0], $0xffff  }
0x65: {  	v51 =	vor.u32 v14, v32;
	_ =	sdelay $0x3  }
0x66: {  	[tilespmem:v13+s15+$0x0] =	vst.idx.msk $0xffff, v33  }
0x67: {  	v33 =	vld.idx.msk [tilespmem:v51+s13+$0x0], $0xffff  }
0x68: {  	v32 =	vor.u32 v15, v32;
	_ =	sdelay $0x3  }
0x69: {  	[tilespmem:v14+s15+$0x0] =	vst.idx.msk $0xffff, v33  }
0x6a: {  	v32 =	vld.idx.msk [tilespmem:v32+s13+$0x0], $0xffff;
	_ =	sdelay $0x4  }
0x6b: {  	[tilespmem:v15+s15+$0x0] =	vst.idx.msk $0xffff, v32  }
0x6c: {  	v32 =	vld [tilespmem:s18+$0x40];
	_ =	sdelay $0x4  }
0x6d: {  	v32 =	vshll.u32 v32, $0x2  }
0x6e: {  	v32 =	vand.u32 $0x4, v32  }
0x6f: {  	v52 =	vor.u32 v16, v32;
	_ =	sdelay $0x4  }
0x70: {  	v33 =	vld.idx.msk [tilespmem:v52+s13+$0x0], $0xffff  }
0x71: {  	v53 =	vor.u32 v17, v32;
	_ =	sdelay $0x3  }
0x72: {  	[tilespmem:v16+s15+$0x0] =	vst.idx.msk $0xffff, v33  }
0x73: {  	v33 =	vld.idx.msk [tilespmem:v53+s13+$0x0], $0xffff  }
0x74: {  	v54 =	vor.u32 v18, v32;
	_ =	sdelay $0x3  }
0x75: {  	[tilespmem:v17+s15+$0x0] =	vst.idx.msk $0xffff, v33  }
0x76: {  	v33 =	vld.idx.msk [tilespmem:v54+s13+$0x0], $0xffff  }
0x77: {  	v32 =	vor.u32 v19, v32;
	_ =	sdelay $0x3  }
0x78: {  	[tilespmem:v18+s15+$0x0] =	vst.idx.msk $0xffff, v33  }
0x79: {  	v32 =	vld.idx.msk [tilespmem:v32+s13+$0x0], $0xffff;
	_ =	sdelay $0x4  }
0x7a: {  	[tilespmem:v19+s15+$0x0] =	vst.idx.msk $0xffff, v32  }
0x7b: {  	v32 =	vld [tilespmem:s18+$0x50];
	_ =	sdelay $0x4  }
0x7c: {  	v32 =	vshll.u32 v32, $0x2  }
0x7d: {  	v32 =	vand.u32 $0x4, v32  }
0x7e: {  	v55 =	vor.u32 v20, v32;
	_ =	sdelay $0x4  }
0x7f: {  	v33 =	vld.idx.msk [tilespmem:v55+s13+$0x0], $0xffff  }
0x80: {  	v56 =	vor.u32 v21, v32;
	_ =	sdelay $0x3  }
0x81: {  	[tilespmem:v20+s15+$0x0] =	vst.idx.msk $0xffff, v33  }
0x82: {  	v33 =	vld.idx.msk [tilespmem:v56+s13+$0x0], $0xffff  }
0x83: {  	v57 =	vor.u32 v22, v32;
	_ =	sdelay $0x3  }
0x84: {  	[tilespmem:v21+s15+$0x0] =	vst.idx.msk $0xffff, v33  }
0x85: {  	v33 =	vld.idx.msk [tilespmem:v57+s13+$0x0], $0xffff  }
0x86: {  	v32 =	vor.u32 v23, v32;
	_ =	sdelay $0x3  }
0x87: {  	[tilespmem:v22+s15+$0x0] =	vst.idx.msk $0xffff, v33  }
0x88: {  	v32 =	vld.idx.msk [tilespmem:v32+s13+$0x0], $0xffff;
	_ =	sdelay $0x4  }
0x89: {  	[tilespmem:v23+s15+$0x0] =	vst.idx.msk $0xffff, v32  }
0x8a: {  	v32 =	vld [tilespmem:s18+$0x60];
	_ =	sdelay $0x4  }
0x8b: {  	v32 =	vshll.u32 v32, $0x2  }
0x8c: {  	v32 =	vand.u32 $0x4, v32  }
0x8d: {  	v58 =	vor.u32 v24, v32;
	_ =	sdelay $0x4  }
0x8e: {  	v33 =	vld.idx.msk [tilespmem:v58+s13+$0x0], $0xffff  }
0x8f: {  	v59 =	vor.u32 v25, v32;
	_ =	sdelay $0x3  }
0x90: {  	[tilespmem:v24+s15+$0x0] =	vst.idx.msk $0xffff, v33  }
0x91: {  	v33 =	vld.idx.msk [tilespmem:v59+s13+$0x0], $0xffff  }
0x92: {  	v60 =	vor.u32 v26, v32;
	_ =	sdelay $0x3  }
0x93: {  	[tilespmem:v25+s15+$0x0] =	vst.idx.msk $0xffff, v33  }
0x94: {  	v33 =	vld.idx.msk [tilespmem:v60+s13+$0x0], $0xffff  }
0x95: {  	v32 =	vor.u32 v27, v32;
	_ =	sdelay $0x3  }
0x96: {  	[tilespmem:v26+s15+$0x0] =	vst.idx.msk $0xffff, v33  }
0x97: {  	v32 =	vld.idx.msk [tilespmem:v32+s13+$0x0], $0xffff;
	_ =	sdelay $0x4  }
0x98: {  	[tilespmem:v27+s15+$0x0] =	vst.idx.msk $0xffff, v32  }
0x99: {  	v32 =	vld [tilespmem:s18+$0x70];
	_ =	sdelay $0x4  }
0x9a: {  	v32 =	vshll.u32 v32, $0x2  }
0x9b: {  	v32 =	vand.u32 $0x4, v32  }
0x9c: {  	v61 =	vor.u32 v28, v32;
	_ =	sdelay $0x4  }
0x9d: {  	v33 =	vld.idx.msk [tilespmem:v61+s13+$0x0], $0xffff  }
0x9e: {  	v62 =	vor.u32 v29, v32;
	_ =	sdelay $0x3  }
0x9f: {  	[tilespmem:v28+s15+$0x0] =	vst.idx.msk $0xffff, v33  }
0xa0: {  	v33 =	vld.idx.msk [tilespmem:v62+s13+$0x0], $0xffff  }
0xa1: {  	v63 =	vor.u32 v30, v32;
	_ =	sdelay $0x3  }
0xa2: {  	[tilespmem:v29+s15+$0x0] =	vst.idx.msk $0xffff, v33  }
0xa3: {  	v33 =	vld.idx.msk [tilespmem:v63+s13+$0x0], $0xffff  }
0xa4: {  	v32 =	vor.u32 v31, v32;
	_ =	sdelay $0x3  }
0xa5: {  	[tilespmem:v30+s15+$0x0] =	vst.idx.msk $0xffff, v33  }
0xa6: {  	v32 =	vld.idx.msk [tilespmem:v32+s13+$0x0], $0xffff;
	_ =	sdelay $0x4  }
0xa7: {  	[tilespmem:v31+s15+$0x0] =	vst.idx.msk $0xffff, v32  }
0xa8: {  	_ =	swait.ge [sflag:s16], $0x800  }
0xa9: {  	[sflag:s16] =	ssyncset.done $0x0  }
0xaa: {  	[sflag:s16] =	ssyncadd.s32 $0xFFFFF800  }
0xab: {  	[hbm4b:s19+s3] =	stream.linear.scatter [tilespmem:s11], [sflag:$0x3], $0x800, $0x38;
	[tilespmem:$0x2980] =	vst v63  }
0xac: {  	_ =	swait.ge [sflag:s9], $0x800  }
0xad: {  	p0 =	sne.s32 s20, $0x1880;
	[sflag:s9] =	ssyncset.done $0x0  }
.Ltmp0:
0xae: {  	s21 =	sadd.s32 s20, s8;
	[sflag:s9] =	ssyncadd.s32 $0xFFFFF800;
	(pc) =	sbr.rel @p0 .LBB2_2-.Ltmp0, $4  }
0xaf: {  	[hbm4b:s21+s3] =	stream.linear.scatter [tilespmem:s15], [sflag:$0x3], $0x400, $0x38;
	[tilespmem:$0x2980] =	vst v63  }
0xb0: {  	_ =	swait.ge [sflag:s9], $0x400  }
0xb1: {  	s20 =	sadd.s32 $0x80, s20;
	[sflag:s9] =	ssyncset.done $0x0  }
0xb2: {  	s18 =	sadd.s32 $0x80, s18;
	s19 =	sadd.s32 $0x100, s19;
	[sflag:s9] =	ssyncadd.s32 $0xFFFFFC00  }
0xb3: {  	s17 =	sadd.s32 $0x1, s17  }
0xb4: {  	p0 =	sne.s32 s17, s6  }
.Ltmp1:
0xb5: {  	_ = 	snop;
	(pc) =	sbr.rel @p0 .LBB2_1-.Ltmp1, $1  }
0xb6: {  	_ =	sdelay $0x3  }
0xb7: {  	_ =	sfence.sel $0x180000  }
0xb8: {  	[bflag:$0x0] =	sbarrier.arrive $0xFFFF  }
0xb9: {  	p0 =	sne.s32 s0, $0x0;
	_ =	strace $0x9000004A  }
0xba: {  	s0 =	sadd.s32 @!p0 $0x100000, s1;
	[bflag:$0x2] =	sbarrier.arrive $0xFFFF  }
0xbb: {  	[sflag:s0] =	ssyncadd.tile.s32 @!p0 $0x1;
	_ =	shalt  }
.Lfunc_end2:
_tile_overlayer_lowered:
.L_overlay_start_2:
0xbc: {  	(tag) =	ssettag $0x2  }
0xbd: {  	s0 =	rddreg [dreg:$0x0];
	s2 =	stileid.u32  }
0xbe: {  	s1 =	rddreg [dreg:$0x1];
	p0 =	sne.s32 s2, $0x0  }
0xbf: {  	s3 =	rddreg [dreg:$0x2];
	[bflag:$0x3] =	sbarrier.arrive $0xFFFF;
	s2 =	simm.s32 @!p0 $0x1C03  }
0xc0: {  	[timem:s3], [sflag:s2] =	dma.local @!p0 [hbm:s0], s1  }
0xc1: {  	s0 =	simm.s32 @!p0 $0x3  }
0xc2: {  	_ =	swait.ge @!p0 [sflag:s0], s1  }
0xc3: {  	s1 =	ssub.s32 @!p0 $0x0, s1;
	[sflag:s0] =	ssyncset.done @!p0 $0x0  }
0xc4: {  	[sflag:s0] =	ssyncadd.s32 @!p0 s1  }
0xc5: {  	[bflag:$0x3] =	sbarrier.arrive $0xFFFF  }
0xc6: {  	_ =	shalt  }

// kernel: sparse-core-data-format-call.cloned.1.call-start
scs
called_computation_lowered:
.L_overlay_start_0:
0x0: {  	s1 =	sld [smem:$0x3FD9]  }
0x1: {  	s2 =	sld [smem:$0x3FFE];
	_ =	sdelay $0x1  }
0x2: {  	s3 =	srdreg.scid  }
0x3: {  	s0 =	sand.u32 $0x1, s3  }
0x4: {  	s17 =	sshll.u32 s0, $0xA;
	s1 =	sadd.s32 s2, s1  }
0x5: {  	s1 =	sadd.s32 s1, s17  }
0x6: {  	[smem:$0x3FC4] =	sst s1  }
0x7: {  	_ = 	snop  }
0x8: {  	(tm) =	ssettm $0x1  }
0x9: {  	s18 =	sld [smem:$0x3FFB];
	_ =	sdelay $0x3  }
0xa: {  	_ =	strace s18  }
0xb: {  	s1 =	sld [smem:$0x3FFC];
	_ =	sdelay $0x3  }
0xc: {  	_ =	strace s1  }
0xd: {  	s1 =	sld [smem:$0x3FFD];
	_ =	sdelay $0x3  }
0xe: {  	_ =	strace s1  }
0xf: {  	_ =	strace $0x8FFFFFFF  }
0x10: {  	s19 =	sld [smem:$0x3FDB];
	_ =	sdelay $0x1  }
0x11: {  	s20 =	simm.s32 $_scs_section_size  }
0x12: {  	s4 =	simm.s32 $_size__tile_overlayer_lowered;
	s5 =	simm.s32 $_tile_overlayer_lowered  }
0x13: {  	s23 =	simm.s32 $0x1BFF;
	s22 =	sshll.u32 s5, $0x1;
	s1 =	sadd.s32 s20, s19  }
0x14: {  	s6 =	simm.s32 $0x0;
	s21 =	sshll.u32 s4, $0x1;
	s4 =	sadd.s32 s22, s1  }
0x15: {  	[timem:s6], [sflag:s23] =	dma.local [hbm:s4], s21  }
0x16: {  	_ =	swait.ge [sflag:s23], s21  }
0x17: {  	s2 =	ssub.s32 $0x0, s21;
	[sflag:s23] =	ssyncset.done $0x0  }
0x18: {  	[sflag:s23] =	ssyncadd.s32 s2;
	_ =	sdelay $0x1  }
0x19: {  	s24 =	simm.s32 $0x1B8B  }
0x1a: {  	_ =	swait.ge [sflag:s24], $0x1  }
0x1b: {  	[sflag:s24] =	ssyncset.done $0x0  }
0x1c: {  	s26 =	simm.s32 $0x1B8E;
	s25 =	sld [smem:$0x3FFE];
	[sflag:s24] =	ssyncadd.s32 $0xFFFFFFFF  }
0x1d: {  	s27 =	simm.s32 $execute0_lowered;
	[smem:$0x3FD2] =	sst s26  }
0x1e: {  	s4 =	sshll.u32 s27, $0x1;
	_ =	strace $0x80000046;
	[dreg:$0x1] =	wrdreg $0xFFFFFFFF  }
0x1f: {  	s28 =	simm.s32 $_size_execute0_lowered;
	s1 =	sadd.s32 s1, s4;
	[dreg:$0x0] =	wrdreg $0x0  }
0x20: {  	s4 =	sshll.u32 s28, $0x1;
	[dreg:$0x2] =	wrdreg s1  }
0x21: {  	[dreg:$0x3] =	wrdreg s4  }
0x22: {  	[dreg:$0x4] =	wrdreg $0xC0  }
0x23: {  	_ =	task [dreg:s6], $0x5FFFF  }
0x24: {  	[dreg:$0x1] =	wrdreg $0xFFFFFFFF  }
0x25: {  	[dreg:$0x0] =	wrdreg $0x60  }
0x26: {  	[dreg:$0x2] =	wrdreg s25  }
0x27: {  	[dreg:$0x3] =	wrdreg $0x9  }
0x28: {  	_ =	task.clear_ibuf [dreg:s6], $0x4FFFF;
	_ =	strace $0x90000046  }
0x29: {  	s29 =	simm.s32 $0x9;
	_ =	strace $0x80000048  }
0x2a: {  	_ =	swait.ge [sflag:s29], $0x1  }
0x2b: {  	[sflag:s29] =	ssyncadd.s32 $0xFFFFFFFF  }
0x2c: {  	_ =	strace $0x90000048  }
0x2d: {  	_ =	sfence  }
0x2e: {  	s30 =	sld [smem:$0x0];
	_ =	sdelay $0x2  }
0x2f: {  	s31 =	sshll.u32 s3, $0xD;
	s3 =	sshrl.u32 s3, $0x2  }
0x30: {  	s2 =	sand.u32 $0x4000, s31;
	s1 =	sadd.s32 s3, s30  }
0x31: {  	s0 =	sor.u32 s2, s0;
	s1 =	sshll.u32 s1, $0x11  }
0x32: {  	s0 =	sor.u32 s1, s0  }
0x33: {  	s0 =	sadd.s32 $0x8F2B, s0  }
0x34: {  	[sflag:s0] =	ssyncadd.remote.s32 $0x1  }
0x35: {  	_ =	sfence.sel $0xFFFF  }
0x36: {  	[dreg:$0x0] =	wrdreg $0xFFFFFFFF;
	(pc) =	sbr.abs _section_cstart, $3  }
0x37: {  	[dreg:$0x1] =	wrdreg $0xFFFFFFFF  }
0x38: {  	_ =	task.clear_ibuf [dreg:s6], $0x2FFFF;
	_ =	strace $0x9FFFFFFF  }
0x39: {  	(tm) =	ssettm $0x7FFFFFFF  }
tec
execute0_lowered:
.L_overlay_start_1:
0x0: {  	(tag) =	ssettag $0x1  }
0x1: {  	s0 =	srdreg.scid  }
0x2: {  	s4 =	rddreg [dreg:$0x0];
	s1 =	stileid.u32  }
0x3: {  	s5 =	simm.s32 $0x1;
	s7 =	simm.s32 $0x2;
	s0 =	sshll.u32 s0, $0x4  }
0x4: {  	s8 =	simm.s32 $0x0;
	s12 =	simm.s32 $0x0;
	s2 =	sand.u32 $0x10, s0  }
.Ltmp0:
0x5: {  	s10 =	simm.s32 $0x0;
	s3 =	sor.u32 s1, s2;
	(pc) =	sbr.rel .LBB1_1-.Ltmp0, $4  }
0x6: {  	s11 =	simm.s32 $0x0;
	s0 =	rddreg [dreg:$0x1];
	s3 =	sshll.u32 s3, $0x3  }
0x7: {  	_ =	strace $0x80000047;
	s2 =	sadd.s32 $0x1400, s4;
	s6 =	ssub.s32 $0x3D08, s3  }
0x8: {  	s4 =	sadd.s32 $0x1E9A00, s4;
	[sflag:s5] =	ssyncpa.u1 $0x0;
	s6 =	sshrl.u32 s6, $0x8  }
0x9: {  	[sflag:s7] =	ssyncpa.u1 $0x0;
	s9 =	smov.u32 s3;
	s7 =	sor.u32 $0x2, s6  }
.LBB1_9:
0xa: {  	s14 =	sshll.u32 s10, $0x7  }
0xb: {  	s14 =	sadd.s32 s4, s14  }
0xc: {  	[hbm4b:s14+s8] =	stream.linear.scatter [tilespmem:s15], [sflag:$0x2], s13, $0x38;
	[tilespmem:$0x8000] =	vst v63  }
.LBB1_10:
0xd: {  	p0 =	slt.u32 s11, $0x2  }
0xe: {  	p1 =	sgt.s32 @!p0 s12, $0x3D01  }
0xf: {  	s13 =	smov.u32 s12;
	s14 =	sshra.s32 @!p0 s12, $0x1F;
	p1 =	por !p1, p0  }
0x10: {  	s12 =	sand.u32 @!p0 s14, s12;
	s13 =	simm.s32 @p1 $0x3D01  }
0x11: {  	s12 =	ssub.s32 @!p0 s13, s12  }
0x12: {  	s12 =	sadd.s32 @!p0 $0xFFFFC2FF, s12  }
0x13: {  	s13 =	sshll.u32 @!p0 s12, $0xC  }
0x14: {  	p1 =	sgt.s32 @!p0 s12, $0x7;
	s12 =	ssub.s32 @!p0 $0x8000, s13  }
0x15: {  	s14 =	sadd.s32 $0x100, s9;
	p1 =	por !p1, p0;
	s12 =	sshrl.u32 @!p0 s12, $0x2  }
0x16: {  	s12 =	simm.s32 @!p1 $0x0;
	p1 =	sgt.s32 s14, $0x3D08  }
0x17: {  	s14 =	smov.u32 @p1 s3;
	p1 =	sne.s32 s11, s7  }
.Ltmp1:
0x18: {  	_ = 	snop;
	(pc) =	sbr.rel @!p1 .LBB1_11-.Ltmp1, $4  }
0x19: {  	s13 =	simm.s32 @!p0 $0x2  }
0x1a: {  	_ =	swait.ge @!p0 [sflag:s13], s12;
	s15 =	ssub.s32 @!p0 $0x0, s12  }
0x1b: {  	s12 =	smov.u32 s10;
	s11 =	sadd.s32 $0x1, s11;
	[sflag:s13] =	ssyncset.done @!p0 $0x0  }
0x1c: {  	s10 =	smov.u32 s9;
	s9 =	smov.u32 s14;
	[sflag:s13] =	ssyncadd.s32 @!p0 s15  }
.LBB1_1:
0x1d: {  	p0 =	sgt.u32 s11, s6  }
0x1e: {  	p1 =	sgt.s32 @!p0 s9, $0x3D01  }
0x1f: {  	s13 =	smov.u32 s9;
	s14 =	sshra.s32 @!p0 s9, $0x1F;
	p1 =	por !p1, p0  }
0x20: {  	s14 =	sand.u32 @!p0 s14, s9;
	s13 =	simm.s32 @p1 $0x3D01  }
0x21: {  	s13 =	ssub.s32 @!p0 s13, s14  }
0x22: {  	s13 =	sadd.s32 @!p0 $0xFFFFC2FF, s13  }
0x23: {  	s15 =	sshll.u32 @!p0 s9, $0x7;
	s16 =	simm.s32 @!p0 $0x0;
	s14 =	sshll.u32 @!p0 s13, $0xC  }
0x24: {  	p1 =	sgt.s32 @!p0 s13, $0x7;
	s13 =	ssub.s32 @!p0 $0x8000, s14;
	s14 =	sxor.u32 @!p0 $0xFFFFFFFF, s11  }
0x25: {  	p1 =	por !p1, p0;
	s13 =	sshrl.u32 @!p0 s13, $0x2;
	s14 =	sshll.u32 @!p0 s14, $0xD  }
0x26: {  	s15 =	sadd.s32 @!p0 s2, s15;
	s13 =	simm.s32 @!p1 $0x0;
	s14 =	sand.u32 @!p0 $0x2000, s14  }
0x27: {  	[tilespmem:s14], [sflag:$0x1] =	stream.linear.gather @!p0 [hbm4b:s15+s16], s13, $0x38;
	[tilespmem:$0x8000] =	vst v63  }
0x28: {  	p0 =	seq.s32 s11, $0x0  }
0x29: {  	p1 =	sge.u32 @!p0 s11, s7  }
0x2a: {  	p0 =	por p0, p1  }
.Ltmp2:
0x2b: {  	_ = 	snop;
	(pc) =	sbr.rel @p0 .LBB1_10-.Ltmp2, $1  }
0x2c: {  	_ =	sdelay $0x3  }
0x2d: {  	p0 =	sgt.s32 s10, $0x3D01;
	s13 =	smov.u32 s10;
	s14 =	sshra.s32 s10, $0x1F  }
0x2e: {  	s13 =	simm.s32 @!p0 $0x3D01;
	s14 =	sand.u32 s14, s10  }
0x2f: {  	s13 =	ssub.s32 s13, s14  }
0x30: {  	s13 =	sadd.s32 $0xFFFFC2FF, s13  }
0x31: {  	s31 =	sshll.u32 s13, $0xC  }
0x32: {  	s14 =	ssub.s32 $0x8000, s31  }
0x33: {  	p0 =	sgt.s32 s13, $0x7;
	s13 =	sshrl.u32 s14, $0x2;
	s14 =	sadd.s32 $0x8, s10  }
0x34: {  	s13 =	simm.s32 @p0 $0x0;
	p0 =	slt.s32 s14, $0x3D09  }
0x35: {  	s14 =	simm.s32 @!p0 $0x3D09  }
0x36: {  	s14 =	ssub.s32 s14, s10  }
0x37: {  	p0 =	slt.s32 s14, $0x1  }
.Ltmp3:
0x38: {  	_ = 	snop;
	(pc) =	sbr.rel @p0 .LBB1_9-.Ltmp3, $4  }
0x39: {  	s16 =	sshll.u32 s11, $0xF  }
0x3a: {  	s16 =	sand.u32 $0x8000, s16;
	_ =	swait.ge [sflag:s5], s13  }
0x3b: {  	s16 =	sshrl.u32 s16, $0x2;
	s15 =	ssub.s32 $0x0, s13;
	[sflag:s5] =	ssyncset.done $0x0  }
0x3c: {  	[sflag:s5] =	ssyncadd.s32 s15;
	s15 =	sor.u32 $0x4000, s16  }
0x3d: {  	s17 =	simm.s32 $0x0  }
.LBB1_4:
0x3e: {  	s18 =	sshll.u32 s17, $0xC  }
0x3f: {  	s18 =	sshra.s32 s18, $0x2  }
0x40: {  	s19 =	sadd.s32 s18, s16  }
0x41: {  	s20 =	sadd.s32 $0x100, s19;
	v0 =	vmov s19  }
0x42: {  	s21 =	sadd.s32 $0x200, s19;
	v1 =	vmov s20  }
0x43: {  	s22 =	sadd.s32 $0x300, s19;
	v2 =	vmov s21  }
0x44: {  	p1 =	por $0x1, $0x1;
	s18 =	sadd.s32 s18, s15;
	v3 =	vmov s22;
	s20 =	simm.s32 $0x0  }
.LBB1_5:
0x45: {  	s19 =	sshll.u32 s20, $0x7  }
0x46: {  	s21 =	sand.u32 $0x3FFFFF80, s19  }
0x47: {  	p0 =	por p1, p1;
	s21 =	sadd.s32 s21, s18  }
0x48: {  	s22 =	sadd.s32 $0x80, s21;
	s23 =	sadd.s32 $0x100, s21;
	s24 =	sadd.s32 $0x180, s21;
	v4 =	vmov s21  }
0x49: {  	s20 =	sshll.u32 s20, $0x5;
	p1 =	por $0x1, $0x1;
	s21 =	simm.s32 $0x0;
	v5 =	vmov s22;
	v6 =	vmov s23;
	v7 =	vmov s24  }
.LBB1_6:
0x4a: {  	s22 =	sor.u32 s20, s21  }
0x4b: {  	v8 =	vld.idx.msk [tilespmem:v0+s22+$0x0 ss:$0x1], $0xffff  }
0x4c: {  	v9 =	vld.idx.msk [tilespmem:v1+s22+$0x0 ss:$0x1], $0xffff  }
0x4d: {  	v10 =	vld.idx.msk [tilespmem:v2+s22+$0x0 ss:$0x1], $0xffff;
	_ =	sdelay $0x1  }
0x4e: {  	v13 =	vld.idx.msk [tilespmem:v3+s22+$0x0 ss:$0x1], $0xffff  }
0x4f: {  	v24 =	vld.idx.msk [tilespmem:v0+s22+$0x10 ss:$0x1], $0xffff;
	v11 =	vshrl.u32 v8, $0x10;
	v12 =	vshrl.u32 v8, $0x8;
	v14 =	vshrl.u32 v8, $0x18  }
0x50: {  	v38 =	vld.idx.msk [tilespmem:v1+s22+$0x10 ss:$0x1], $0xffff;
	v8 =	vand.u32 $0xFF, v8;
	v15 =	vshrl.u32 v9, $0x10;
	v16 =	vshrl.u32 v9, $0x8  }
0x51: {  	v43 =	vld.idx.msk [tilespmem:v2+s22+$0x10 ss:$0x1], $0xffff;
	v17 =	vshrl.u32 v9, $0x18;
	v9 =	vand.u32 $0xFF, v9;
	v18 =	vshrl.u32 v10, $0x10  }
0x52: {  	v46 =	vld.idx.msk [tilespmem:v3+s22+$0x10 ss:$0x1], $0xffff;
	v19 =	vshrl.u32 v10, $0x8;
	v20 =	vshrl.u32 v10, $0x18;
	v10 =	vand.u32 $0xFF, v10  }
0x53: {  	v21 =	vshrl.u32 v13, $0x18;
	v22 =	vshrl.u32 v13, $0x10;
	v23 =	vshrl.u32 v13, $0x8  }
0x54: {  	v13 =	vand.u32 $0xFF, v13;
	v44 =	vshrl.u32 v24, $0x10;
	v45 =	vshrl.u32 v24, $0x8  }
0x55: {  	v47 =	vshrl.u32 v24, $0x18;
	v48 =	vand.u32 $0xFF, v24;
	v49 =	vshrl.u32 v38, $0x10  }
0x56: {  	v50 =	vshrl.u32 v38, $0x8;
	v51 =	vshrl.u32 v38, $0x18;
	v52 =	vshrl.u32 v43, $0x10  }
0x57: {  	v53 =	vshrl.u32 v43, $0x8;
	v54 =	vshrl.u32 v43, $0x18;
	v25 =	vshrl.u32 v46, $0x10  }
0x58: {  	v26 =	vand.u32 $0xFF, v46;
	v55 =	vshrl.u32 v46, $0x8;
	v11 =	vand.u32 $0xFF, v11  }
0x59: {  	v12 =	vand.u32 $0xFF, v12;
	v15 =	vand.u32 $0xFF, v15;
	v16 =	vand.u32 $0xFF, v16  }
0x5a: {  	v18 =	vand.u32 $0xFF, v18;
	v19 =	vand.u32 $0xFF, v19;
	v22 =	vand.u32 $0xFF, v22  }
0x5b: {  	v23 =	vand.u32 $0xFF, v23;
	v8 =	vpack.i.b32.b16 v10, v8;
	v9 =	vpack.i.b32.b16 v13, v9  }
0x5c: {  	s23 =	sshll.u32 s21, $0x2;
	v41 =	vpack.i.b32.b16 v20, v14;
	v42 =	vpack.i.b32.b16 v21, v17;
	v13 =	vand.u32 $0xFF, v44  }
0x5d: {  	s21 =	sor.u32 $0x80, s23;
	v20 =	vand.u32 $0xFF, v50;
	v14 =	vand.u32 $0xFF, v43;
	v25 =	vand.u32 $0xFF, v25  }
0x5e: {  	s31 =	sor.u32 s19, s21;
	v62 =	vpack.i.b32.b16 v54, v47;
	v8 =	vpack.i.b16.b8 v9, v8;
	v36 =	vpack.i.b32.b16 v19, v12  }
0x5f: {  	s22 =	sshra.s32 s31, $0x2;
	v37 =	vpack.i.b32.b16 v23, v16;
	v39 =	vpack.i.b32.b16 v18, v11;
	v40 =	vpack.i.b32.b16 v22, v15  }
0x60: {  	v56 =	vld.idx.msk [tilespmem:v0+s22+$0x0 ss:$0x1], $0xffff;
	v11 =	vpack.i.b16.b8 v42, v41;
	v15 =	vand.u32 $0xFF, v45;
	v19 =	vand.u32 $0xFF, v49  }
0x61: {  	v59 =	vld.idx.msk [tilespmem:v1+s22+$0x0 ss:$0x1], $0xffff;
	v12 =	vand.u32 $0xFF, v38;
	v22 =	vand.u32 $0xFF, v52;
	v23 =	vand.u32 $0xFF, v53  }
0x62: {  	v61 =	vld.idx.msk [tilespmem:v2+s22+$0x0 ss:$0x1], $0xffff;
	v14 =	vpack.i.b32.b16 v14, v48;
	v16 =	vshrl.u32 v46, $0x18;
	v18 =	vand.u32 $0xFF, v55  }
0x63: {  	v63 =	vld.idx.msk [tilespmem:v3+s22+$0x0 ss:$0x1], $0xffff;
	v9 =	vpack.i.b16.b8 v37, v36;
	v10 =	vpack.i.b16.b8 v40, v39;
	v12 =	vpack.i.b32.b16 v26, v12  }
0x64: {  	v57 =	vpack.i.b32.b16 v23, v15;
	v58 =	vpack.i.b32.b16 v18, v20;
	v13 =	vpack.i.b32.b16 v22, v13  }
0x65: {  	v60 =	vpack.i.b32.b16 v25, v19;
	v16 =	vpack.i.b32.b16 v16, v51;
	v25 =	vshrl.u32 v56, $0x10  }
0x66: {  	v27 =	vshrl.u32 v56, $0x8;
	v28 =	vshrl.u32 v56, $0x18;
	v29 =	vand.u32 $0xFF, v56  }
0x67: {  	v30 =	vshrl.u32 v59, $0x18;
	v31 =	vshrl.u32 v59, $0x10;
	v32 =	vshrl.u32 v59, $0x8  }
0x68: {  	s23 =	sshra.s32 s23, $0x2;
	v33 =	vand.u32 $0xFF, v61;
	v18 =	vand.u32 $0xFF, v59;
	v34 =	vand.u32 $0xFF, v63  }
0x69: {  	v35 =	vshrl.u32 v61, $0x10;
	[tilespmem:v4+s23+$0x0 ss:$0x1] =	vst.idx.msk $0xffff, v8;
	v8 =	vshrl.u32 v61, $0x18;
	v19 =	vshrl.u32 v61, $0x8  }
0x6a: {  	v37 =	vshrl.u32 v63, $0x8;
	v39 =	vshrl.u32 v63, $0x10;
	v40 =	vshrl.u32 v63, $0x18  }
0x6b: {  	v12 =	vpack.i.b16.b8 v12, v14;
	v14 =	vpack.i.b16.b8 v58, v57;
	v13 =	vpack.i.b16.b8 v60, v13  }
0x6c: {  	v15 =	vpack.i.b16.b8 v16, v62;
	v16 =	vand.u32 $0xFF, v25;
	v20 =	vand.u32 $0xFF, v27  }
0x6d: {  	[tilespmem:v7+s23+$0x0 ss:$0x1] =	vst.idx.msk $0xffff, v11;
	v24 =	vand.u32 $0xFF, v31;
	v22 =	vpack.i.b32.b16 v33, v29;
	v25 =	vand.u32 $0xFF, v32  }
0x6e: {  	v43 =	vld.idx.msk [tilespmem:v2+s22+$0x10 ss:$0x1], $0xffff;
	v18 =	vpack.i.b32.b16 v34, v18;
	v26 =	vand.u32 $0xFF, v35;
	[tilespmem:v5+s23+$0x0 ss:$0x1] =	vst.idx.msk $0xffff, v9;
	v36 =	vand.u32 $0xFF, v19  }
0x6f: {  	v38 =	vld.idx.msk [tilespmem:v0+s22+$0x10 ss:$0x1], $0xffff;
	[tilespmem:v6+s23+$0x0 ss:$0x1] =	vst.idx.msk $0xffff, v10;
	v19 =	vand.u32 $0xFF, v37;
	v10 =	vand.u32 $0xFF, v39;
	v8 =	vpack.i.b32.b16 v8, v28  }
0x70: {  	v42 =	vld.idx.msk [tilespmem:v1+s22+$0x10 ss:$0x1], $0xffff;
	v11 =	vpack.i.b32.b16 v40, v30;
	v18 =	vpack.i.b16.b8 v18, v22;
	v9 =	vpack.i.b32.b16 v36, v20  }
0x71: {  	v41 =	vpack.i.b32.b16 v19, v25;
	v16 =	vpack.i.b32.b16 v26, v16;
	v10 =	vpack.i.b32.b16 v10, v24  }
0x72: {  	v46 =	vld.idx.msk [tilespmem:v3+s22+$0x10 ss:$0x1], $0xffff;
	v8 =	vpack.i.b16.b8 v11, v8;
	v9 =	vpack.i.b16.b8 v41, v9;
	v10 =	vpack.i.b16.b8 v10, v16  }
0x73: {  	v53 =	vshrl.u32 v43, $0x18;
	v54 =	vshrl.u32 v43, $0x8;
	v55 =	vshrl.u32 v43, $0x10  }
0x74: {  	[tilespmem:v4+s23+$0x10 ss:$0x1] =	vst.idx.msk $0xffff, v12;
	v16 =	vand.u32 $0xFF, v43;
	v44 =	vshrl.u32 v38, $0x10;
	v45 =	vshrl.u32 v38, $0x8  }
0x75: {  	[tilespmem:v5+s23+$0x10 ss:$0x1] =	vst.idx.msk $0xffff, v14;
	v47 =	vshrl.u32 v38, $0x18;
	v48 =	vand.u32 $0xFF, v38;
	v49 =	vshrl.u32 v42, $0x10  }
0x76: {  	[tilespmem:v6+s23+$0x10 ss:$0x1] =	vst.idx.msk $0xffff, v13;
	v50 =	vshrl.u32 v42, $0x8;
	v51 =	vshrl.u32 v42, $0x18;
	v52 =	vand.u32 $0xFF, v42  }
0x77: {  	s21 =	sshrl.u32 s21, $0x2;
	[tilespmem:v7+s23+$0x10 ss:$0x1] =	vst.idx.msk $0xffff, v15;
	v22 =	vand.u32 $0xFF, v54;
	v56 =	vshrl.u32 v46, $0x10;
	v57 =	vshrl.u32 v46, $0x8  }
0x78: {  	[tilespmem:v5+s21+$0x0 ss:$0x1] =	vst.idx.msk $0xffff, v9;
	v58 =	vand.u32 $0xFF, v46;
	v9 =	vand.u32 $0xFF, v55;
	v11 =	vand.u32 $0xFF, v44  }
0x79: {  	[tilespmem:v4+s21+$0x0 ss:$0x1] =	vst.idx.msk $0xffff, v18;
	v12 =	vand.u32 $0xFF, v45;
	v20 =	vand.u32 $0xFF, v49;
	v21 =	vand.u32 $0xFF, v50  }
0x7a: {  	[tilespmem:v7+s21+$0x0 ss:$0x1] =	vst.idx.msk $0xffff, v8;
	v8 =	vand.u32 $0xFF, v57;
	v13 =	vpack.i.b32.b16 v16, v48;
	v59 =	vpack.i.b32.b16 v58, v52  }
0x7b: {  	p2 =	por p1, p1;
	[tilespmem:v6+s21+$0x0 ss:$0x1] =	vst.idx.msk $0xffff, v10;
	v10 =	vand.u32 $0xFF, v56;
	v12 =	vpack.i.b32.b16 v22, v12;
	v8 =	vpack.i.b32.b16 v8, v21  }
.Ltmp4:
0x7c: {  	v62 =	vpack.i.b32.b16 v53, v47;
	v13 =	vpack.i.b16.b8 v59, v13;
	v8 =	vpack.i.b16.b8 v8, v12;
	(pc) =	sbr.rel @p2 .LBB1_6-.Ltmp4, $4  }
0x7d: {  	v60 =	vshrl.u32 v46, $0x18;
	v61 =	vpack.i.b32.b16 v10, v20;
	[tilespmem:v5+s21+$0x10 ss:$0x1] =	vst.idx.msk $0xffff, v8;
	v8 =	vpack.i.b32.b16 v9, v11  }
0x7e: {  	v63 =	vpack.i.b32.b16 v60, v51;
	[tilespmem:v4+s21+$0x10 ss:$0x1] =	vst.idx.msk $0xffff, v13;
	v8 =	vpack.i.b16.b8 v61, v8  }
0x7f: {  	[tilespmem:v6+s21+$0x10 ss:$0x1] =	vst.idx.msk $0xffff, v8;
	v8 =	vpack.i.b16.b8 v63, v62  }
0x80: {  	p1 =	por $0x0, $0x0;
	[tilespmem:v7+s21+$0x10 ss:$0x1] =	vst.idx.msk $0xffff, v8;
	s21 =	simm.s32 $0x40  }
.Ltmp5:
0x81: {  	(pc) =	sbr.rel @p0 .LBB1_5-.Ltmp5, $2  }
0x82: {  	_ =	sdelay $0x2  }
0x83: {  	s20 =	simm.s32 $0x4;
	p1 =	por $0x0, $0x0  }
0x84: {  	s17 =	sadd.s32 $0x1, s17  }
0x85: {  	p0 =	sne.s32 s17, s14  }
.Ltmp6:
0x86: {  	_ = 	snop;
	(pc) =	sbr.rel @p0 .LBB1_4-.Ltmp6, $4  }
.Ltmp7:
0x87: {  	_ = 	snop;
	(pc) =	sbr.rel @!p0 .LBB1_9-.Ltmp7, $4  }
0x88: {  	_ = 	snop  }
0x89: {  	_ = 	snop  }
0x8a: {  	_ = 	snop  }
0x8b: {  	_ = 	snop  }
.LBB1_11:
0x8c: {  	_ =	sfence.sel $0x180000  }
0x8d: {  	s2 =	simm.s32 $0x1;
	[bflag:$0x0] =	sbarrier.arrive $0xFFFF  }
0x8e: {  	s31 =	simm.s32 $0x2;
	[sflag:s2] =	ssyncpa.u1 $0x1  }
0x8f: {  	[sflag:s31] =	ssyncpa.u1 $0x1  }
0x90: {  	p0 =	sne.s32 s1, $0x0;
	_ =	strace $0x90000047  }
0x91: {  	s0 =	sadd.s32 @!p0 $0x100000, s0;
	[bflag:$0x2] =	sbarrier.arrive $0xFFFF  }
0x92: {  	[sflag:s0] =	ssyncadd.tile.s32 @!p0 $0x1;
	_ =	shalt  }
.Lfunc_end1:
_tile_overlayer_lowered:
.L_overlay_start_2:
0x93: {  	(tag) =	ssettag $0x2  }
0x94: {  	s0 =	rddreg [dreg:$0x0];
	s2 =	stileid.u32  }
0x95: {  	s1 =	rddreg [dreg:$0x1];
	p0 =	sne.s32 s2, $0x0  }
0x96: {  	s3 =	rddreg [dreg:$0x2];
	[bflag:$0x3] =	sbarrier.arrive $0xFFFF;
	s2 =	simm.s32 @!p0 $0x1C01  }
0x97: {  	[timem:s3], [sflag:s2] =	dma.local @!p0 [hbm:s0], s1  }
0x98: {  	s0 =	simm.s32 @!p0 $0x1  }
0x99: {  	_ =	swait.ge @!p0 [sflag:s0], s1  }
0x9a: {  	s1 =	ssub.s32 @!p0 $0x0, s1;
	[sflag:s0] =	ssyncset.done @!p0 $0x0  }
0x9b: {  	[sflag:s0] =	ssyncadd.s32 @!p0 s1  }
0x9c: {  	[bflag:$0x3] =	sbarrier.arrive $0xFFFF  }
0x9d: {  	_ =	shalt  }

</sc_bundles>
